<compile_context>
chip_gen: v7x
topology: tpu7x:2x2x1
jax: 0.10.2.dev20260603
libtpu: 0.0.44.dev20260713+nightly
codegen_flags: <defaults>
</compile_context>

<pallas_src>
import functools

import jax
import jax.numpy as jnp
from jax import lax
from jax.experimental import pallas as pl
from jax.experimental.pallas import tpu as pltpu
from jax.experimental.pallas import tpu_sc as plsc

_NC = 2
_NS = 16
_L = 16


def _sc_segment_sum(table, src2d, dst2d, n_acc, k_chunk, cpp, with_counts,
                    col_split=True):
    n_tab = table.shape[0]
    dh = table.shape[1] // 2 if col_split else table.shape[1]
    nw = _NS if col_split else _NS * _NC
    spc = src2d.shape[0] // nw
    n_phases = spc // cpp
    rps = n_acc // _NS
    tps = n_tab // _NS

    mesh = plsc.VectorSubcoreMesh(
        core_axis_name="c", subcore_axis_name="s",
        num_cores=_NC, num_subcores=_NS)

    out_type = [jax.ShapeDtypeStruct((_NC, n_acc, dh), jnp.float32)]
    scratch = [
        pltpu.VMEM((cpp, k_chunk), jnp.int32),
        pltpu.VMEM((cpp, k_chunk), jnp.int32),
        pltpu.VMEM((k_chunk, dh), jnp.float32),
        pltpu.VMEM((k_chunk, dh), jnp.float32),
        pltpu.VMEM((k_chunk, dh), jnp.float32),
        pltpu.VMEM((k_chunk, dh), jnp.float32),
        pltpu.VMEM_SHARED((n_tab, dh), jnp.float32),
        pltpu.VMEM_SHARED((n_acc, dh), jnp.float32),
    ] + [pltpu.SemaphoreType.DMA] * 8
    if with_counts:
        out_type.append(jax.ShapeDtypeStruct((_NS, n_acc), jnp.float32))
        scratch.append(pltpu.VMEM((n_acc,), jnp.float32))

    @functools.partial(
        pl.kernel,
        mesh=mesh,
        out_type=out_type,
        scratch_types=scratch,
        compiler_params=pltpu.CompilerParams(
            use_tc_tiling_on_sc=False, needs_layout_passes=False),
    )
    def seg_kernel(table_hbm, src_hbm, dst_hbm, out_hbm, *rest):
        if with_counts:
            (cnt_hbm, src_v, dst_v, r0, r1, r2, r3, tab_sh, acc_sh,
             g0, g1, g2, g3, s0, s1, s2, s3, cnt_v) = rest
        else:
            (src_v, dst_v, r0, r1, r2, r3, tab_sh, acc_sh,
             g0, g1, g2, g3, s0, s1, s2, s3) = rest
        rows_b = (r0, r1, r2, r3)
        gsem = (g0, g1, g2, g3)
        ssem = (s0, s1, s2, s3)
        rows0_v = r0

        c = lax.axis_index("c")
        s = lax.axis_index("s")
        if col_split:
            row_base = s * spc
            col0 = c * dh
        else:
            row_base = (s * _NC + c) * spc
            col0 = 0

        pltpu.sync_copy(
            table_hbm.at[pl.ds(s * tps, tps), pl.ds(col0, dh)],
            tab_sh.at[pl.ds(s * tps, tps)])

        zrow = jnp.zeros((_L,), jnp.float32)

        def zfill(r, carry):
            for jj in range(dh // _L):
                rows0_v[r, pl.ds(jj * _L, _L)] = zrow
            return carry

        lax.fori_loop(0, k_chunk, zfill, 0)
        nfull, nrem = rps // k_chunk, rps % k_chunk

        def zcopy(q, carry):
            pltpu.sync_copy(
                rows0_v.at[...],
                acc_sh.at[pl.ds(s * rps + q * k_chunk, k_chunk)])
            return carry

        lax.fori_loop(0, nfull, zcopy, 0)
        if nrem:
            pltpu.sync_copy(
                rows0_v.at[pl.ds(0, nrem)],
                acc_sh.at[pl.ds(s * rps + nfull * k_chunk, nrem)])
        if with_counts:
            def czero(r, carry):
                cnt_v[pl.ds(r * _L, _L)] = zrow
                return carry

            lax.fori_loop(0, n_acc // _L, czero, 0)
        plsc.subcore_barrier()

        ones = jnp.full((_L,), 1.0, jnp.float32)

        def phase(p, carry):
            pltpu.sync_copy(
                src_hbm.at[pl.ds(row_base + p * cpp, cpp)], src_v)
            pltpu.sync_copy(
                dst_hbm.at[pl.ds(row_base + p * cpp, cpp)], dst_v)
            for b in range(2):
                pltpu.async_copy(tab_sh.at[src_v.at[b]], rows_b[b], gsem[b])

            def body(j, carry2):
                for b in range(4):
                    i = j * 4 + b
                    pltpu.make_async_copy(
                        tab_sh.at[src_v.at[i]], rows_b[b], gsem[b]).wait()
                    pltpu.async_copy(
                        rows_b[b], acc_sh.at[dst_v.at[i]], ssem[b], add=True)
                    b2 = (b + 2) % 4
                    if b >= 2:
                        pltpu.make_async_copy(
                            rows_b[b2], acc_sh.at[dst_v.at[i]],
                            ssem[b2]).wait()
                    else:
                        @pl.when(j > 0)
                        def _drain():
                            pltpu.make_async_copy(
                                rows_b[b2], acc_sh.at[dst_v.at[i]],
                                ssem[b2]).wait()
                    if b < 2:
                        pltpu.async_copy(
                            tab_sh.at[src_v.at[i + 2]], rows_b[b2], gsem[b2])
                    else:
                        @pl.when(j < cpp // 4 - 1)
                        def _pref():
                            pltpu.async_copy(
                                tab_sh.at[src_v.at[i + 2]], rows_b[b2],
                                gsem[b2])
                    if with_counts:
                        @pl.when(c == 0)
                        def _count():
                            for jj in range(k_chunk // _L):
                                dvec = dst_v[i, pl.ds(jj * _L, _L)]
                                plsc.addupdate_scatter(cnt_v, [dvec], ones)
                return carry2

            lax.fori_loop(0, cpp // 4, body, 0)
            for b in ((cpp - 2) % 4, (cpp - 1) % 4):
                pltpu.make_async_copy(
                    rows_b[b], acc_sh.at[dst_v.at[0]], ssem[b]).wait()
            return carry

        lax.fori_loop(0, n_phases, phase, 0)

        plsc.subcore_barrier()
        pltpu.sync_copy(acc_sh.at[pl.ds(s * rps, rps)],
                        out_hbm.at[c, pl.ds(s * rps, rps)])
        if with_counts:
            @pl.when(c == 0)
            def _dump_cnt():
                pltpu.sync_copy(cnt_v, cnt_hbm.at[s])

    return seg_kernel(table, src2d, dst2d)


def _tc_stage1(x, acc1, cnt1, Wl1, bl1, Wr1, W1, b1, Wl2, Wr2, bl2, blk):
    n = x.shape[0]
    d = x.shape[1]
    cdim = Wl2.shape[0]

    def body(x_ref, acc_ref, cnt_ref, wl1_ref, bl1_ref, wr1_ref, w1_ref,
             b1_ref, wl2_ref, wr2_ref, bl2_ref, y2p_ref, z2c_ref):
        agg_sum = jnp.concatenate([acc_ref[0], acc_ref[1]], axis=1)
        cnt = jnp.maximum(
            jnp.sum(cnt_ref[...], axis=1, keepdims=True), 1.0)
        agg = agg_sum / cnt
        xb = x_ref[...]

        dot = lambda a, w: lax.dot_general(
            a, w, (((1,), (1,)), ((), ())), preferred_element_type=jnp.float32)

        pre1 = dot(agg, wl1_ref[...]) + bl1_ref[...] + dot(xb, wr1_ref[...])
        nrm1 = jnp.sqrt(jnp.sum(pre1 * pre1, axis=1, keepdims=True))
        h1 = jnp.maximum(pre1 / jnp.maximum(nrm1, 1e-12), 0.0)

        w1 = w1_ref[...]
        h2 = jnp.maximum(dot(xb, w1[:, :d]) + dot(h1, w1[:, d:]) + b1_ref[...],
                         0.0)

        y2 = dot(h2, wl2_ref[...])
        bsz = y2.shape[0]
        y2p_ref[...] = jnp.concatenate(
            [y2, jnp.zeros((bsz, 64 - cdim), jnp.float32)], axis=1)
        z2 = dot(h2, wr2_ref[...]) + bl2_ref[...]
        z2c_ref[...] = jnp.concatenate(
            [z2, cnt, jnp.zeros((bsz, 128 - cdim - 1), jnp.float32)], axis=1)

    grid = (n // blk,)
    wspec = lambda shp: pl.BlockSpec(shp, lambda i: (0,) * len(shp))
    return pl.pallas_call(
        body,
        grid=grid,
        in_specs=[
            pl.BlockSpec((blk, d), lambda i: (i, 0)),
            pl.BlockSpec((_NC, blk, d // 2), lambda i: (0, i, 0)),
            pl.BlockSpec((blk, _NS), lambda i: (i, 0)),
            wspec(Wl1.shape), wspec(bl1.shape), wspec(Wr1.shape),
            wspec(W1.shape), wspec(b1.shape), wspec(Wl2.shape),
            wspec(Wr2.shape), wspec(bl2.shape),
        ],
        out_specs=[
            pl.BlockSpec((blk, 64), lambda i: (i, 0)),
            pl.BlockSpec((blk, 128), lambda i: (i, 0)),
        ],
        out_shape=[
            jax.ShapeDtypeStruct((n, 64), jnp.float32),
            jax.ShapeDtypeStruct((n, 128), jnp.float32),
        ],
    )(x, acc1, cnt1, Wl1, bl1, Wr1, W1, b1, Wl2, Wr2, bl2)


def _tc_stage2(acc2, z2c, cdim, blk):
    n = z2c.shape[0]

    def body(acc_ref, z2c_ref, out_ref):
        agg = acc_ref[0] + acc_ref[1]
        agg_sum = agg[:, :cdim]
        z2cb = z2c_ref[...]
        z2 = z2cb[:, :cdim]
        cnt = z2cb[:, cdim:cdim + 1]
        pre = agg_sum / cnt + z2
        nrm = jnp.sqrt(jnp.sum(pre * pre, axis=1, keepdims=True))
        out_ref[...] = pre / jnp.maximum(nrm, 1e-12)

    grid = (n // blk,)
    return pl.pallas_call(
        body,
        grid=grid,
        in_specs=[
            pl.BlockSpec((_NC, blk, 64), lambda i: (0, i, 0)),
            pl.BlockSpec((blk, 128), lambda i: (i, 0)),
        ],
        out_specs=pl.BlockSpec((blk, cdim), lambda i: (i, 0)),
        out_shape=jax.ShapeDtypeStruct((n, cdim), jnp.float32),
    )(acc2, z2c)


def kernel(x, Wl1, bl1, Wr1, W1, b1, Wl2, bl2, Wr2, edge_index):
    n, d = x.shape
    e = edge_index.shape[1]
    cdim = Wl2.shape[0]

    k_chunk = 112
    e1 = _NS * 180 * k_chunk
    e2 = _NS * _NC * 92 * k_chunk
    n_acc = n + 240

    def pad_edges(e_pad):
        src = jnp.concatenate(
            [edge_index[0], jnp.zeros((e_pad - e,), jnp.int32)]
        ).reshape(-1, k_chunk)
        dst = jnp.concatenate(
            [edge_index[1],
             n + (jnp.arange(e_pad - e, dtype=jnp.int32) % (n_acc - n))]
        ).reshape(-1, k_chunk)
        return src, dst

    src2d, dst2d = pad_edges(e1)
    src2db, dst2db = pad_edges(e2)

    acc1, cnt1 = _sc_segment_sum(x, src2d, dst2d, n_acc, k_chunk, cpp=36,
                                 with_counts=True, col_split=True)

    bl1r = bl1.reshape(1, -1)
    b1r = b1.reshape(1, -1)
    bl2r = bl2.reshape(1, -1)
    cnt1t = cnt1.T
    y2p, z2c = _tc_stage1(x, acc1, cnt1t, Wl1, bl1r, Wr1, W1, b1r, Wl2, Wr2,
                          bl2r, blk=2000)

    acc2, = _sc_segment_sum(y2p, src2db, dst2db, n_acc, k_chunk, cpp=92,
                            with_counts=False, col_split=False)

    return _tc_stage2(acc2, z2c, cdim, blk=2000)

# --- scband reference (transcript-rebuilt; emitter-appended) ---
"""Pipeline reference for scband-sage-24300924961370 (READ-ONLY COPY).

The authoritative reference and input builder live on the scoring server;
editing this copy changes nothing except your own understanding.
"""

import jax, jax.numpy as jnp
import numpy as np

N = 10000
E = 320000
D = 128
H = 128
C = 40


def setup_inputs(seed: int = 0) -> dict:
    key = jax.random.key(seed)
    ks = jax.random.split(key, 12)
    x = jax.random.normal(ks[0], (N, D), dtype=jnp.float32)
    edge_index = jax.random.randint(ks[1], (2, E), 0, N, dtype=jnp.int32)
    s = 0.05
    Wl1 = jax.random.normal(ks[2], (H, D), dtype=jnp.float32) * s
    bl1 = jnp.zeros((H,), dtype=jnp.float32)
    Wr1 = jax.random.normal(ks[3], (H, D), dtype=jnp.float32) * s
    W1 = jax.random.normal(ks[4], (H, D + H), dtype=jnp.float32) * s
    b1 = jnp.zeros((H,), dtype=jnp.float32)
    Wl2 = jax.random.normal(ks[5], (C, H), dtype=jnp.float32) * s
    bl2 = jnp.zeros((C,), dtype=jnp.float32)
    Wr2 = jax.random.normal(ks[6], (C, H), dtype=jnp.float32) * s
    return {"x": x, "Wl1": Wl1, "bl1": bl1, "Wr1": Wr1, "W1": W1, "b1": b1,
            "Wl2": Wl2, "bl2": bl2, "Wr2": Wr2, "edge_index": edge_index}


def _sage_conv(x_in, Wl, bl, Wr, edge_index):
    # PyG SAGEConv(aggr='mean', normalize=True):
    #   out = lin_l(mean_j x_j) + lin_r(x_i); out = l2_normalize(out)
    src = edge_index[0]
    dst = edge_index[1]
    msg = x_in[src]  # gather: [E, d]
    agg_sum = jax.ops.segment_sum(msg, dst, num_segments=N)
    cnt = jax.ops.segment_sum(jnp.ones((E,), dtype=jnp.float32), dst, num_segments=N)
    agg = agg_sum / jnp.clip(cnt, 1.0)[:, None]
    out = agg @ Wl.T + bl + x_in @ Wr.T
    norm = jnp.linalg.norm(out, axis=-1, keepdims=True)
    return out / jnp.maximum(norm, 1e-12)


def reference(x, Wl1, bl1, Wr1, W1, b1, Wl2, bl2, Wr2, edge_index):
    hidden = jax.nn.relu(_sage_conv(x, Wl1, bl1, Wr1, edge_index))
    hidden = jax.nn.relu(jnp.concatenate([x, hidden], axis=1) @ W1.T + b1)
    # dropout: identity in eval mode
    out = _sage_conv(hidden, Wl2, bl2, Wr2, edge_index)
    return out

if __name__ == "__main__":
    import jax
    _d = setup_inputs()
    print(jax.jit(kernel)(*tuple(_d.values())))

</pallas_src>

<mosaic_0001>
#map = affine_map<(d0, d1) -> (0, 0)>
#map1 = affine_map<(d0, d1) -> (0, 0, 0)>
module attributes {stable_mosaic.version = 14 : i64} {
  func.func @seg_kernel(%arg0: i32, %arg1: i32, %arg2: memref<10000x128xf32, #tpu.memory_space<hbm>>, %arg3: memref<2880x112xi32, #tpu.memory_space<hbm>>, %arg4: memref<2880x112xi32, #tpu.memory_space<hbm>>, %arg5: memref<2x10240x64xf32, #tpu.memory_space<hbm>>, %arg6: memref<16x10240xf32, #tpu.memory_space<hbm>>, %arg7: memref<36x112xi32, #tpu.memory_space<vmem>>, %arg8: memref<36x112xi32, #tpu.memory_space<vmem>>, %arg9: memref<112x64xf32, #tpu.memory_space<vmem>>, %arg10: memref<112x64xf32, #tpu.memory_space<vmem>>, %arg11: memref<112x64xf32, #tpu.memory_space<vmem>>, %arg12: memref<112x64xf32, #tpu.memory_space<vmem>>, %arg13: memref<10000x64xf32, #tpu.memory_space<vmem_shared>>, %arg14: memref<10240x64xf32, #tpu.memory_space<vmem_shared>>, %arg15: memref<!tpu.dma_semaphore, #tpu.memory_space<semaphore_mem>>, %arg16: memref<!tpu.dma_semaphore, #tpu.memory_space<semaphore_mem>>, %arg17: memref<!tpu.dma_semaphore, #tpu.memory_space<semaphore_mem>>, %arg18: memref<!tpu.dma_semaphore, #tpu.memory_space<semaphore_mem>>, %arg19: memref<!tpu.dma_semaphore, #tpu.memory_space<semaphore_mem>>, %arg20: memref<!tpu.dma_semaphore, #tpu.memory_space<semaphore_mem>>, %arg21: memref<!tpu.dma_semaphore, #tpu.memory_space<semaphore_mem>>, %arg22: memref<!tpu.dma_semaphore, #tpu.memory_space<semaphore_mem>>, %arg23: memref<10240xf32, #tpu.memory_space<vmem>>) attributes {dimension_semantics = [#tpu.dimension_semantics<core_parallel>, #tpu.dimension_semantics<subcore_parallel>], iteration_bounds = array<i64: 2, 16>, scalar_prefetch = 0 : i64, scratch_operands = 17 : i64, tpu.core_type = #tpu.core_type<sc_vector_subcore>, window_params = [{transform_indices = #map}, {transform_indices = #map}, {transform_indices = #map}, {transform_indices = #map1}, {transform_indices = #map}]} {
    %mul3A = arith.constant 180 : i32
    %mul3A_0 = arith.muli %arg1, %mul3A : i32
    %mul3A_1 = arith.constant 64 : i32
    %mul3A_2 = arith.muli %arg0, %mul3A_1 : i32
    %mul3A_3 = arith.constant 625 : i32
    %mul3A_4 = arith.muli %arg1, %mul3A_3 : i32
    %mul3A_5 = arith.constant 625 : i32
    %mul3A_6 = arith.muli %arg1, %mul3A_5 : i32
    "tpu.region"() ({
      %run_scoped3A = tpu.sem_alloc : memref<!tpu.dma_semaphore, #tpu.memory_space<semaphore_mem>>
      %dma_start3A = arith.constant 0 : i32
      %dma_start3A_43 = tpu.memref_slice %arg13[%mul3A_6, %dma_start3A] : memref<10000x64xf32, #tpu.memory_space<vmem_shared>> -> memref<625x64xf32, #tpu.memory_space<vmem_shared>>
      %dma_start3A_44 = tpu.memref_slice %arg2[%mul3A_4, %mul3A_2] : memref<10000x128xf32, #tpu.memory_space<hbm>> -> memref<625x64xf32, #tpu.memory_space<hbm>>
      tpu.enqueue_dma source(%dma_start3A_44 : memref<625x64xf32, #tpu.memory_space<hbm>>) target(%dma_start3A_43 : memref<625x64xf32, #tpu.memory_space<vmem_shared>>) target_semaphore(%run_scoped3A : memref<!tpu.dma_semaphore, #tpu.memory_space<semaphore_mem>>)
      %dma_wait3A = arith.constant 0 : i32
      %dma_wait3A_45 = tpu.memref_slice %arg13[%mul3A_6, %dma_wait3A] : memref<10000x64xf32, #tpu.memory_space<vmem_shared>> -> memref<625x64xf32, #tpu.memory_space<vmem_shared>>
      %dma_wait3A_46 = tpu.memref_slice %arg2[%mul3A_4, %mul3A_2] : memref<10000x128xf32, #tpu.memory_space<hbm>> -> memref<625x64xf32, #tpu.memory_space<hbm>>
      tpu.wait_dma2 semaphore(%run_scoped3A : memref<!tpu.dma_semaphore, #tpu.memory_space<semaphore_mem>>) src(%dma_wait3A_46 : memref<625x64xf32, #tpu.memory_space<hbm>>) dst(%dma_wait3A_45 : memref<625x64xf32, #tpu.memory_space<vmem_shared>>)
      tpu.yield
    }) : () -> ()
    %broadcast_in_dim3A = arith.constant 0.000000e+00 : f32
    %broadcast_in_dim3A_7 = vector.broadcast %broadcast_in_dim3A : f32 to vector<16xf32>
    %scan3A = arith.constant 0 : i32
    %scan3A_8 = arith.constant 0 : i32
    %scan3A_9 = arith.constant 112 : i32
    %scan3A_10 = arith.addi %scan3A_8, %scan3A_9 : i32
    %scan3A_11 = arith.constant 1 : i32
    scf.for %scan3A_43 = %scan3A_8 to %scan3A_10 step %scan3A_11  : i32 {
      %swap3A = arith.index_cast %scan3A_43 : i32 to index
      %swap3A_44 = arith.constant 0 : index
      %swap3A_45 = tpu.vector_load %arg9[%swap3A, %swap3A_44] {strides = array<i32>} : memref<112x64xf32, #tpu.memory_space<vmem>>, vector<16xf32>,
      tpu.vector_store %arg9[%swap3A, %swap3A_44], %broadcast_in_dim3A_7 {strides = array<i32>} : memref<112x64xf32, #tpu.memory_space<vmem>>, vector<16xf32>,
      %swap3A_46 = arith.index_cast %scan3A_43 : i32 to index
      %swap3A_47 = arith.constant 16 : index
      %swap3A_48 = tpu.vector_load %arg9[%swap3A_46, %swap3A_47] {strides = array<i32>} : memref<112x64xf32, #tpu.memory_space<vmem>>, vector<16xf32>,
      tpu.vector_store %arg9[%swap3A_46, %swap3A_47], %broadcast_in_dim3A_7 {strides = array<i32>} : memref<112x64xf32, #tpu.memory_space<vmem>>, vector<16xf32>,
      %swap3A_49 = arith.index_cast %scan3A_43 : i32 to index
      %swap3A_50 = arith.constant 32 : index
      %swap3A_51 = tpu.vector_load %arg9[%swap3A_49, %swap3A_50] {strides = array<i32>} : memref<112x64xf32, #tpu.memory_space<vmem>>, vector<16xf32>,
      tpu.vector_store %arg9[%swap3A_49, %swap3A_50], %broadcast_in_dim3A_7 {strides = array<i32>} : memref<112x64xf32, #tpu.memory_space<vmem>>, vector<16xf32>,
      %swap3A_52 = arith.index_cast %scan3A_43 : i32 to index
      %swap3A_53 = arith.constant 48 : index
      %swap3A_54 = tpu.vector_load %arg9[%swap3A_52, %swap3A_53] {strides = array<i32>} : memref<112x64xf32, #tpu.memory_space<vmem>>, vector<16xf32>,
      tpu.vector_store %arg9[%swap3A_52, %swap3A_53], %broadcast_in_dim3A_7 {strides = array<i32>} : memref<112x64xf32, #tpu.memory_space<vmem>>, vector<16xf32>,
    }
    %scan3A_12 = arith.constant 112 : i32
    %scan3A_13 = arith.constant 0 : i32
    %scan3A_14 = arith.constant 0 : i32
    %scan3A_15 = arith.constant 5 : i32
    %scan3A_16 = arith.addi %scan3A_14, %scan3A_15 : i32
    %scan3A_17 = arith.constant 1 : i32
    scf.for %scan3A_43 = %scan3A_14 to %scan3A_16 step %scan3A_17  : i32 {
      %mul3A_44 = arith.constant 640 : i32
      %mul3A_45 = arith.muli %arg1, %mul3A_44 : i32
      %mul3A_46 = arith.constant 112 : i32
      %mul3A_47 = arith.muli %scan3A_43, %mul3A_46 : i32
      %add3A_48 = arith.addi %mul3A_45, %mul3A_47 : i32
      "tpu.region"() ({
        %run_scoped3A = tpu.sem_alloc : memref<!tpu.dma_semaphore, #tpu.memory_space<semaphore_mem>>
        %dma_start3A = arith.constant 0 : i32
        %dma_start3A_49 = arith.constant 0 : i32
        %dma_start3A_50 = tpu.memref_slice %arg9[%dma_start3A, %dma_start3A_49] : memref<112x64xf32, #tpu.memory_space<vmem>> -> memref<112x64xf32, #tpu.memory_space<vmem>>
        %dma_start3A_51 = arith.constant 0 : i32
        %dma_start3A_52 = tpu.memref_slice %arg14[%add3A_48, %dma_start3A_51] : memref<10240x64xf32, #tpu.memory_space<vmem_shared>> -> memref<112x64xf32, #tpu.memory_space<vmem_shared>>
        %dma_start3A_53 = arith.constant 0 : i32
        %dma_start3A_54 = tpu.memref_slice %arg14[%add3A_48, %dma_start3A_53] : memref<10240x64xf32, #tpu.memory_space<vmem_shared>> -> memref<112x64xf32, #tpu.memory_space<vmem_shared>>
        %dma_start3A_55 = arith.constant 0 : i32
        %dma_start3A_56 = arith.constant 0 : i32
        %dma_start3A_57 = tpu.memref_slice %arg9[%dma_start3A_55, %dma_start3A_56] : memref<112x64xf32, #tpu.memory_space<vmem>> -> memref<112x64xf32, #tpu.memory_space<vmem>>
        tpu.enqueue_dma source(%dma_start3A_57 : memref<112x64xf32, #tpu.memory_space<vmem>>) target(%dma_start3A_54 : memref<112x64xf32, #tpu.memory_space<vmem_shared>>) target_semaphore(%run_scoped3A : memref<!tpu.dma_semaphore, #tpu.memory_space<semaphore_mem>>)
        %dma_wait3A = arith.constant 0 : i32
        %dma_wait3A_58 = arith.constant 0 : i32
        %dma_wait3A_59 = tpu.memref_slice %arg9[%dma_wait3A, %dma_wait3A_58] : memref<112x64xf32, #tpu.memory_space<vmem>> -> memref<112x64xf32, #tpu.memory_space<vmem>>
        %dma_wait3A_60 = arith.constant 0 : i32
        %dma_wait3A_61 = tpu.memref_slice %arg14[%add3A_48, %dma_wait3A_60] : memref<10240x64xf32, #tpu.memory_space<vmem_shared>> -> memref<112x64xf32, #tpu.memory_space<vmem_shared>>
        %dma_wait3A_62 = arith.constant 0 : i32
        %dma_wait3A_63 = tpu.memref_slice %arg14[%add3A_48, %dma_wait3A_62] : memref<10240x64xf32, #tpu.memory_space<vmem_shared>> -> memref<112x64xf32, #tpu.memory_space<vmem_shared>>
        %dma_wait3A_64 = arith.constant 0 : i32
        %dma_wait3A_65 = arith.constant 0 : i32
        %dma_wait3A_66 = tpu.memref_slice %arg9[%dma_wait3A_64, %dma_wait3A_65] : memref<112x64xf32, #tpu.memory_space<vmem>> -> memref<112x64xf32, #tpu.memory_space<vmem>>
        tpu.wait_dma2 semaphore(%run_scoped3A : memref<!tpu.dma_semaphore, #tpu.memory_space<semaphore_mem>>) src(%dma_wait3A_66 : memref<112x64xf32, #tpu.memory_space<vmem>>) dst(%dma_wait3A_63 : memref<112x64xf32, #tpu.memory_space<vmem_shared>>)
        tpu.yield
      }) : () -> ()
    }
    %scan3A_18 = arith.constant 5 : i32
    %mul3A_19 = arith.constant 640 : i32
    %mul3A_20 = arith.muli %arg1, %mul3A_19 : i32
    %add3A = arith.constant 560 : i32
    %add3A_21 = arith.addi %mul3A_20, %add3A : i32
    "tpu.region"() ({
      %run_scoped3A = tpu.sem_alloc : memref<!tpu.dma_semaphore, #tpu.memory_space<semaphore_mem>>
      %dma_start3A = arith.constant 0 : i32
      %dma_start3A_43 = arith.constant 0 : i32
      %dma_start3A_44 = tpu.memref_slice %arg9[%dma_start3A, %dma_start3A_43] : memref<112x64xf32, #tpu.memory_space<vmem>> -> memref<80x64xf32, #tpu.memory_space<vmem>>
      %dma_start3A_45 = arith.constant 0 : i32
      %dma_start3A_46 = tpu.memref_slice %arg14[%add3A_21, %dma_start3A_45] : memref<10240x64xf32, #tpu.memory_space<vmem_shared>> -> memref<80x64xf32, #tpu.memory_space<vmem_shared>>
      %dma_start3A_47 = arith.constant 0 : i32
      %dma_start3A_48 = tpu.memref_slice %arg14[%add3A_21, %dma_start3A_47] : memref<10240x64xf32, #tpu.memory_space<vmem_shared>> -> memref<80x64xf32, #tpu.memory_space<vmem_shared>>
      %dma_start3A_49 = arith.constant 0 : i32
      %dma_start3A_50 = arith.constant 0 : i32
      %dma_start3A_51 = tpu.memref_slice %arg9[%dma_start3A_49, %dma_start3A_50] : memref<112x64xf32, #tpu.memory_space<vmem>> -> memref<80x64xf32, #tpu.memory_space<vmem>>
      tpu.enqueue_dma source(%dma_start3A_51 : memref<80x64xf32, #tpu.memory_space<vmem>>) target(%dma_start3A_48 : memref<80x64xf32, #tpu.memory_space<vmem_shared>>) target_semaphore(%run_scoped3A : memref<!tpu.dma_semaphore, #tpu.memory_space<semaphore_mem>>)
      %dma_wait3A = arith.constant 0 : i32
      %dma_wait3A_52 = arith.constant 0 : i32
      %dma_wait3A_53 = tpu.memref_slice %arg9[%dma_wait3A, %dma_wait3A_52] : memref<112x64xf32, #tpu.memory_space<vmem>> -> memref<80x64xf32, #tpu.memory_space<vmem>>
      %dma_wait3A_54 = arith.constant 0 : i32
      %dma_wait3A_55 = tpu.memref_slice %arg14[%add3A_21, %dma_wait3A_54] : memref<10240x64xf32, #tpu.memory_space<vmem_shared>> -> memref<80x64xf32, #tpu.memory_space<vmem_shared>>
      %dma_wait3A_56 = arith.constant 0 : i32
      %dma_wait3A_57 = tpu.memref_slice %arg14[%add3A_21, %dma_wait3A_56] : memref<10240x64xf32, #tpu.memory_space<vmem_shared>> -> memref<80x64xf32, #tpu.memory_space<vmem_shared>>
      %dma_wait3A_58 = arith.constant 0 : i32
      %dma_wait3A_59 = arith.constant 0 : i32
      %dma_wait3A_60 = tpu.memref_slice %arg9[%dma_wait3A_58, %dma_wait3A_59] : memref<112x64xf32, #tpu.memory_space<vmem>> -> memref<80x64xf32, #tpu.memory_space<vmem>>
      tpu.wait_dma2 semaphore(%run_scoped3A : memref<!tpu.dma_semaphore, #tpu.memory_space<semaphore_mem>>) src(%dma_wait3A_60 : memref<80x64xf32, #tpu.memory_space<vmem>>) dst(%dma_wait3A_57 : memref<80x64xf32, #tpu.memory_space<vmem_shared>>)
      tpu.yield
    }) : () -> ()
    %scan3A_22 = arith.constant 0 : i32
    %scan3A_23 = arith.constant 0 : i32
    %scan3A_24 = arith.constant 640 : i32
    %scan3A_25 = arith.addi %scan3A_23, %scan3A_24 : i32
    %scan3A_26 = arith.constant 1 : i32
    scf.for %scan3A_43 = %scan3A_23 to %scan3A_25 step %scan3A_26  : i32 {
      %mul3A_44 = arith.constant 16 : i32
      %mul3A_45 = arith.muli %scan3A_43, %mul3A_44 : i32
      %swap3A = arith.index_cast %mul3A_45 : i32 to index
      %swap3A_46 = tpu.vector_load %arg23[%swap3A] {strides = array<i32>} : memref<10240xf32, #tpu.memory_space<vmem>>, vector<16xf32>,
      tpu.vector_store %arg23[%swap3A], %broadcast_in_dim3A_7 {strides = array<i32>} : memref<10240xf32, #tpu.memory_space<vmem>>, vector<16xf32>,
    }
    %scan3A_27 = arith.constant 640 : i32
    %barrier3A = arith.constant 0 : index
    tpu.barrier barrier_id(%barrier3A)
    %broadcast_in_dim3A_28 = arith.constant 1.000000e+00 : f32
    %broadcast_in_dim3A_29 = vector.broadcast %broadcast_in_dim3A_28 : f32 to vector<16xf32>
    %scan3A_30 = arith.constant 0 : i32
    %scan3A_31 = arith.constant 0 : i32
    %scan3A_32 = arith.constant 5 : i32
    %scan3A_33 = arith.addi %scan3A_31, %scan3A_32 : i32
    %scan3A_34 = arith.constant 1 : i32
    scf.for %scan3A_43 = %scan3A_31 to %scan3A_33 step %scan3A_34  : i32 {
      %mul3A_44 = arith.constant 36 : i32
      %mul3A_45 = arith.muli %scan3A_43, %mul3A_44 : i32
      %add3A_46 = arith.addi %mul3A_0, %mul3A_45 : i32
      "tpu.region"() ({
        %run_scoped3A = tpu.sem_alloc : memref<!tpu.dma_semaphore, #tpu.memory_space<semaphore_mem>>
        %dma_start3A_82 = arith.constant 0 : i32
        %dma_start3A_83 = tpu.memref_slice %arg3[%add3A_46, %dma_start3A_82] : memref<2880x112xi32, #tpu.memory_space<hbm>> -> memref<36x112xi32, #tpu.memory_space<hbm>>
        %dma_start3A_84 = arith.constant 0 : i32
        %dma_start3A_85 = tpu.memref_slice %arg3[%add3A_46, %dma_start3A_84] : memref<2880x112xi32, #tpu.memory_space<hbm>> -> memref<36x112xi32, #tpu.memory_space<hbm>>
        tpu.enqueue_dma source(%dma_start3A_85 : memref<36x112xi32, #tpu.memory_space<hbm>>) target(%arg7 : memref<36x112xi32, #tpu.memory_space<vmem>>) target_semaphore(%run_scoped3A : memref<!tpu.dma_semaphore, #tpu.memory_space<semaphore_mem>>)
        %dma_wait3A_86 = arith.constant 0 : i32
        %dma_wait3A_87 = tpu.memref_slice %arg3[%add3A_46, %dma_wait3A_86] : memref<2880x112xi32, #tpu.memory_space<hbm>> -> memref<36x112xi32, #tpu.memory_space<hbm>>
        %dma_wait3A_88 = arith.constant 0 : i32
        %dma_wait3A_89 = tpu.memref_slice %arg3[%add3A_46, %dma_wait3A_88] : memref<2880x112xi32, #tpu.memory_space<hbm>> -> memref<36x112xi32, #tpu.memory_space<hbm>>
        tpu.wait_dma2 semaphore(%run_scoped3A : memref<!tpu.dma_semaphore, #tpu.memory_space<semaphore_mem>>) src(%dma_wait3A_89 : memref<36x112xi32, #tpu.memory_space<hbm>>) dst(%arg7 : memref<36x112xi32, #tpu.memory_space<vmem>>)
        tpu.yield
      }) : () -> ()
      %mul3A_47 = arith.constant 36 : i32
      %mul3A_48 = arith.muli %scan3A_43, %mul3A_47 : i32
      %add3A_49 = arith.addi %mul3A_0, %mul3A_48 : i32
      "tpu.region"() ({
        %run_scoped3A = tpu.sem_alloc : memref<!tpu.dma_semaphore, #tpu.memory_space<semaphore_mem>>
        %dma_start3A_82 = arith.constant 0 : i32
        %dma_start3A_83 = tpu.memref_slice %arg4[%add3A_49, %dma_start3A_82] : memref<2880x112xi32, #tpu.memory_space<hbm>> -> memref<36x112xi32, #tpu.memory_space<hbm>>
        %dma_start3A_84 = arith.constant 0 : i32
        %dma_start3A_85 = tpu.memref_slice %arg4[%add3A_49, %dma_start3A_84] : memref<2880x112xi32, #tpu.memory_space<hbm>> -> memref<36x112xi32, #tpu.memory_space<hbm>>
        tpu.enqueue_dma source(%dma_start3A_85 : memref<36x112xi32, #tpu.memory_space<hbm>>) target(%arg8 : memref<36x112xi32, #tpu.memory_space<vmem>>) target_semaphore(%run_scoped3A : memref<!tpu.dma_semaphore, #tpu.memory_space<semaphore_mem>>)
        %dma_wait3A_86 = arith.constant 0 : i32
        %dma_wait3A_87 = tpu.memref_slice %arg4[%add3A_49, %dma_wait3A_86] : memref<2880x112xi32, #tpu.memory_space<hbm>> -> memref<36x112xi32, #tpu.memory_space<hbm>>
        %dma_wait3A_88 = arith.constant 0 : i32
        %dma_wait3A_89 = tpu.memref_slice %arg4[%add3A_49, %dma_wait3A_88] : memref<2880x112xi32, #tpu.memory_space<hbm>> -> memref<36x112xi32, #tpu.memory_space<hbm>>
        tpu.wait_dma2 semaphore(%run_scoped3A : memref<!tpu.dma_semaphore, #tpu.memory_space<semaphore_mem>>) src(%dma_wait3A_89 : memref<36x112xi32, #tpu.memory_space<hbm>>) dst(%arg8 : memref<36x112xi32, #tpu.memory_space<vmem>>)
        tpu.yield
      }) : () -> ()
      %dma_start3A = arith.constant 0 : i32
      %dma_start3A_50 = arith.constant 0 : i32
      %dma_start3A_51 = tpu.memref_slice %arg7[%dma_start3A, %dma_start3A_50] : memref<36x112xi32, #tpu.memory_space<vmem>> -> memref<1x112xi32, #tpu.memory_space<vmem>>
      %dma_start3A_52 = tpu.memref_squeeze %dma_start3A_51 : memref<1x112xi32, #tpu.memory_space<vmem>> -> memref<112xi32, #tpu.memory_space<vmem>>
      %dma_start3A_53 = arith.constant 0 : i32
      %dma_start3A_54 = arith.constant 0 : i32
      %dma_start3A_55 = tpu.memref_slice %arg13[%dma_start3A_53, %dma_start3A_54] : memref<10000x64xf32, #tpu.memory_space<vmem_shared>> -> memref<10000x64xf32, #tpu.memory_space<vmem_shared>>
      tpu.enqueue_indirect_dma source(%dma_start3A_55 : memref<10000x64xf32, #tpu.memory_space<vmem_shared>>) target(%arg9 : memref<112x64xf32, #tpu.memory_space<vmem>>) offsets(%dma_start3A_52 : memref<112xi32, #tpu.memory_space<vmem>>) semaphore(%arg15 : memref<!tpu.dma_semaphore, #tpu.memory_space<semaphore_mem>>)
      %dma_start3A_56 = arith.constant 1 : i32
      %dma_start3A_57 = arith.constant 0 : i32
      %dma_start3A_58 = tpu.memref_slice %arg7[%dma_start3A_56, %dma_start3A_57] : memref<36x112xi32, #tpu.memory_space<vmem>> -> memref<1x112xi32, #tpu.memory_space<vmem>>
      %dma_start3A_59 = tpu.memref_squeeze %dma_start3A_58 : memref<1x112xi32, #tpu.memory_space<vmem>> -> memref<112xi32, #tpu.memory_space<vmem>>
      %dma_start3A_60 = arith.constant 0 : i32
      %dma_start3A_61 = arith.constant 0 : i32
      %dma_start3A_62 = tpu.memref_slice %arg13[%dma_start3A_60, %dma_start3A_61] : memref<10000x64xf32, #tpu.memory_space<vmem_shared>> -> memref<10000x64xf32, #tpu.memory_space<vmem_shared>>
      tpu.enqueue_indirect_dma source(%dma_start3A_62 : memref<10000x64xf32, #tpu.memory_space<vmem_shared>>) target(%arg10 : memref<112x64xf32, #tpu.memory_space<vmem>>) offsets(%dma_start3A_59 : memref<112xi32, #tpu.memory_space<vmem>>) semaphore(%arg16 : memref<!tpu.dma_semaphore, #tpu.memory_space<semaphore_mem>>)
      %scan3A_63 = arith.constant 0 : i32
      %scan3A_64 = arith.constant 0 : i32
      %scan3A_65 = arith.constant 9 : i32
      %scan3A_66 = arith.addi %scan3A_64, %scan3A_65 : i32
      %scan3A_67 = arith.constant 1 : i32
      scf.for %scan3A_82 = %scan3A_64 to %scan3A_66 step %scan3A_67  : i32 {
        %mul3A_83 = arith.constant 4 : i32
        %mul3A_84 = arith.muli %scan3A_82, %mul3A_83 : i32
        %add3A_85 = arith.constant 0 : i32
        %add3A_86 = arith.addi %mul3A_84, %add3A_85 : i32
        %dma_wait3A_87 = arith.constant 0 : i32
        %dma_wait3A_88 = tpu.memref_slice %arg7[%add3A_86, %dma_wait3A_87] : memref<36x112xi32, #tpu.memory_space<vmem>> -> memref<1x112xi32, #tpu.memory_space<vmem>>
        %dma_wait3A_89 = tpu.memref_squeeze %dma_wait3A_88 : memref<1x112xi32, #tpu.memory_space<vmem>> -> memref<112xi32, #tpu.memory_space<vmem>>
        %dma_wait3A_90 = arith.constant 0 : i32
        %dma_wait3A_91 = arith.constant 0 : i32
        %dma_wait3A_92 = tpu.memref_slice %arg13[%dma_wait3A_90, %dma_wait3A_91] : memref<10000x64xf32, #tpu.memory_space<vmem_shared>> -> memref<10000x64xf32, #tpu.memory_space<vmem_shared>>
        tpu.wait_indirect_dma semaphore(%arg15 : memref<!tpu.dma_semaphore, #tpu.memory_space<semaphore_mem>>) src(%dma_wait3A_92 : memref<10000x64xf32, #tpu.memory_space<vmem_shared>>) dst(%arg9 : memref<112x64xf32, #tpu.memory_space<vmem>>)
        %dma_start3A_93 = arith.constant 0 : i32
        %dma_start3A_94 = tpu.memref_slice %arg8[%add3A_86, %dma_start3A_93] : memref<36x112xi32, #tpu.memory_space<vmem>> -> memref<1x112xi32, #tpu.memory_space<vmem>>
        %dma_start3A_95 = tpu.memref_squeeze %dma_start3A_94 : memref<1x112xi32, #tpu.memory_space<vmem>> -> memref<112xi32, #tpu.memory_space<vmem>>
        %dma_start3A_96 = arith.constant 0 : i32
        %dma_start3A_97 = arith.constant 0 : i32
        %dma_start3A_98 = tpu.memref_slice %arg14[%dma_start3A_96, %dma_start3A_97] : memref<10240x64xf32, #tpu.memory_space<vmem_shared>> -> memref<10240x64xf32, #tpu.memory_space<vmem_shared>>
        tpu.enqueue_indirect_dma source(%arg9 : memref<112x64xf32, #tpu.memory_space<vmem>>) target(%dma_start3A_98 : memref<10240x64xf32, #tpu.memory_space<vmem_shared>>) offsets(%dma_start3A_95 : memref<112xi32, #tpu.memory_space<vmem>>) semaphore(%arg19 : memref<!tpu.dma_semaphore, #tpu.memory_space<semaphore_mem>>) {add = true}
        %gt3A = arith.constant 0 : i32
        %gt3A_99 = arith.cmpi sgt, %scan3A_82, %gt3A : i32
        %convert_element_type3A_100 = arith.extui %gt3A_99 : i1 to i32
        %cond3A_101 = arith.constant 0 : i32
        %cond3A_102 = arith.cmpi ne, %convert_element_type3A_100, %cond3A_101 : i32
        scf.if %cond3A_102 {
          %dma_wait3A_213 = arith.constant 0 : i32
          %dma_wait3A_214 = tpu.memref_slice %arg8[%add3A_86, %dma_wait3A_213] : memref<36x112xi32, #tpu.memory_space<vmem>> -> memref<1x112xi32, #tpu.memory_space<vmem>>
          %dma_wait3A_215 = tpu.memref_squeeze %dma_wait3A_214 : memref<1x112xi32, #tpu.memory_space<vmem>> -> memref<112xi32, #tpu.memory_space<vmem>>
          %dma_wait3A_216 = arith.constant 0 : i32
          %dma_wait3A_217 = arith.constant 0 : i32
          %dma_wait3A_218 = tpu.memref_slice %arg14[%dma_wait3A_216, %dma_wait3A_217] : memref<10240x64xf32, #tpu.memory_space<vmem_shared>> -> memref<10240x64xf32, #tpu.memory_space<vmem_shared>>
          tpu.wait_indirect_dma semaphore(%arg21 : memref<!tpu.dma_semaphore, #tpu.memory_space<semaphore_mem>>) src(%arg11 : memref<112x64xf32, #tpu.memory_space<vmem>>) dst(%dma_wait3A_218 : memref<10240x64xf32, #tpu.memory_space<vmem_shared>>)
        } else {
        }
        %add3A_103 = arith.constant 2 : i32
        %add3A_104 = arith.addi %add3A_86, %add3A_103 : i32
        %dma_start3A_105 = arith.constant 0 : i32
        %dma_start3A_106 = tpu.memref_slice %arg7[%add3A_104, %dma_start3A_105] : memref<36x112xi32, #tpu.memory_space<vmem>> -> memref<1x112xi32, #tpu.memory_space<vmem>>
        %dma_start3A_107 = tpu.memref_squeeze %dma_start3A_106 : memref<1x112xi32, #tpu.memory_space<vmem>> -> memref<112xi32, #tpu.memory_space<vmem>>
        %dma_start3A_108 = arith.constant 0 : i32
        %dma_start3A_109 = arith.constant 0 : i32
        %dma_start3A_110 = tpu.memref_slice %arg13[%dma_start3A_108, %dma_start3A_109] : memref<10000x64xf32, #tpu.memory_space<vmem_shared>> -> memref<10000x64xf32, #tpu.memory_space<vmem_shared>>
        tpu.enqueue_indirect_dma source(%dma_start3A_110 : memref<10000x64xf32, #tpu.memory_space<vmem_shared>>) target(%arg11 : memref<112x64xf32, #tpu.memory_space<vmem>>) offsets(%dma_start3A_107 : memref<112xi32, #tpu.memory_space<vmem>>) semaphore(%arg17 : memref<!tpu.dma_semaphore, #tpu.memory_space<semaphore_mem>>)
        %eq3A_111 = arith.constant 0 : i32
        %eq3A_112 = arith.cmpi eq, %arg0, %eq3A_111 : i32
        %convert_element_type3A_113 = arith.extui %eq3A_112 : i1 to i32
        %cond3A_114 = arith.constant 0 : i32
        %cond3A_115 = arith.cmpi ne, %convert_element_type3A_113, %cond3A_114 : i32
        scf.if %cond3A_115 {
          %get3A = arith.index_cast %add3A_86 : i32 to index
          %get3A_213 = arith.constant 0 : index
          %get3A_214 = tpu.vector_load %arg8[%get3A, %get3A_213] {strides = array<i32>} : memref<36x112xi32, #tpu.memory_space<vmem>>, vector<16xi32>,
          tpu.vector_store_idx %arg23[%get3A_214], %broadcast_in_dim3A_29 {add = true} : memref<10240xf32, #tpu.memory_space<vmem>>[vector<16xi32>], vector<16xf32>,
          %get3A_215 = arith.index_cast %add3A_86 : i32 to index
          %get3A_216 = arith.constant 16 : index
          %get3A_217 = tpu.vector_load %arg8[%get3A_215, %get3A_216] {strides = array<i32>} : memref<36x112xi32, #tpu.memory_space<vmem>>, vector<16xi32>,
          tpu.vector_store_idx %arg23[%get3A_217], %broadcast_in_dim3A_29 {add = true} : memref<10240xf32, #tpu.memory_space<vmem>>[vector<16xi32>], vector<16xf32>,
          %get3A_218 = arith.index_cast %add3A_86 : i32 to index
          %get3A_219 = arith.constant 32 : index
          %get3A_220 = tpu.vector_load %arg8[%get3A_218, %get3A_219] {strides = array<i32>} : memref<36x112xi32, #tpu.memory_space<vmem>>, vector<16xi32>,
          tpu.vector_store_idx %arg23[%get3A_220], %broadcast_in_dim3A_29 {add = true} : memref<10240xf32, #tpu.memory_space<vmem>>[vector<16xi32>], vector<16xf32>,
          %get3A_221 = arith.index_cast %add3A_86 : i32 to index
          %get3A_222 = arith.constant 48 : index
          %get3A_223 = tpu.vector_load %arg8[%get3A_221, %get3A_222] {strides = array<i32>} : memref<36x112xi32, #tpu.memory_space<vmem>>, vector<16xi32>,
          tpu.vector_store_idx %arg23[%get3A_223], %broadcast_in_dim3A_29 {add = true} : memref<10240xf32, #tpu.memory_space<vmem>>[vector<16xi32>], vector<16xf32>,
          %get3A_224 = arith.index_cast %add3A_86 : i32 to index
          %get3A_225 = arith.constant 64 : index
          %get3A_226 = tpu.vector_load %arg8[%get3A_224, %get3A_225] {strides = array<i32>} : memref<36x112xi32, #tpu.memory_space<vmem>>, vector<16xi32>,
          tpu.vector_store_idx %arg23[%get3A_226], %broadcast_in_dim3A_29 {add = true} : memref<10240xf32, #tpu.memory_space<vmem>>[vector<16xi32>], vector<16xf32>,
          %get3A_227 = arith.index_cast %add3A_86 : i32 to index
          %get3A_228 = arith.constant 80 : index
          %get3A_229 = tpu.vector_load %arg8[%get3A_227, %get3A_228] {strides = array<i32>} : memref<36x112xi32, #tpu.memory_space<vmem>>, vector<16xi32>,
          tpu.vector_store_idx %arg23[%get3A_229], %broadcast_in_dim3A_29 {add = true} : memref<10240xf32, #tpu.memory_space<vmem>>[vector<16xi32>], vector<16xf32>,
          %get3A_230 = arith.index_cast %add3A_86 : i32 to index
          %get3A_231 = arith.constant 96 : index
          %get3A_232 = tpu.vector_load %arg8[%get3A_230, %get3A_231] {strides = array<i32>} : memref<36x112xi32, #tpu.memory_space<vmem>>, vector<16xi32>,
          tpu.vector_store_idx %arg23[%get3A_232], %broadcast_in_dim3A_29 {add = true} : memref<10240xf32, #tpu.memory_space<vmem>>[vector<16xi32>], vector<16xf32>,
        } else {
        }
        %mul3A_116 = arith.constant 4 : i32
        %mul3A_117 = arith.muli %scan3A_82, %mul3A_116 : i32
        %add3A_118 = arith.constant 1 : i32
        %add3A_119 = arith.addi %mul3A_117, %add3A_118 : i32
        %dma_wait3A_120 = arith.constant 0 : i32
        %dma_wait3A_121 = tpu.memref_slice %arg7[%add3A_119, %dma_wait3A_120] : memref<36x112xi32, #tpu.memory_space<vmem>> -> memref<1x112xi32, #tpu.memory_space<vmem>>
        %dma_wait3A_122 = tpu.memref_squeeze %dma_wait3A_121 : memref<1x112xi32, #tpu.memory_space<vmem>> -> memref<112xi32, #tpu.memory_space<vmem>>
        %dma_wait3A_123 = arith.constant 0 : i32
        %dma_wait3A_124 = arith.constant 0 : i32
        %dma_wait3A_125 = tpu.memref_slice %arg13[%dma_wait3A_123, %dma_wait3A_124] : memref<10000x64xf32, #tpu.memory_space<vmem_shared>> -> memref<10000x64xf32, #tpu.memory_space<vmem_shared>>
        tpu.wait_indirect_dma semaphore(%arg16 : memref<!tpu.dma_semaphore, #tpu.memory_space<semaphore_mem>>) src(%dma_wait3A_125 : memref<10000x64xf32, #tpu.memory_space<vmem_shared>>) dst(%arg10 : memref<112x64xf32, #tpu.memory_space<vmem>>)
        %dma_start3A_126 = arith.constant 0 : i32
        %dma_start3A_127 = tpu.memref_slice %arg8[%add3A_119, %dma_start3A_126] : memref<36x112xi32, #tpu.memory_space<vmem>> -> memref<1x112xi32, #tpu.memory_space<vmem>>
        %dma_start3A_128 = tpu.memref_squeeze %dma_start3A_127 : memref<1x112xi32, #tpu.memory_space<vmem>> -> memref<112xi32, #tpu.memory_space<vmem>>
        %dma_start3A_129 = arith.constant 0 : i32
        %dma_start3A_130 = arith.constant 0 : i32
        %dma_start3A_131 = tpu.memref_slice %arg14[%dma_start3A_129, %dma_start3A_130] : memref<10240x64xf32, #tpu.memory_space<vmem_shared>> -> memref<10240x64xf32, #tpu.memory_space<vmem_shared>>
        tpu.enqueue_indirect_dma source(%arg10 : memref<112x64xf32, #tpu.memory_space<vmem>>) target(%dma_start3A_131 : memref<10240x64xf32, #tpu.memory_space<vmem_shared>>) offsets(%dma_start3A_128 : memref<112xi32, #tpu.memory_space<vmem>>) semaphore(%arg20 : memref<!tpu.dma_semaphore, #tpu.memory_space<semaphore_mem>>) {add = true}
        %gt3A_132 = arith.constant 0 : i32
        %gt3A_133 = arith.cmpi sgt, %scan3A_82, %gt3A_132 : i32
        %convert_element_type3A_134 = arith.extui %gt3A_133 : i1 to i32
        %cond3A_135 = arith.constant 0 : i32
        %cond3A_136 = arith.cmpi ne, %convert_element_type3A_134, %cond3A_135 : i32
        scf.if %cond3A_136 {
          %dma_wait3A_213 = arith.constant 0 : i32
          %dma_wait3A_214 = tpu.memref_slice %arg8[%add3A_119, %dma_wait3A_213] : memref<36x112xi32, #tpu.memory_space<vmem>> -> memref<1x112xi32, #tpu.memory_space<vmem>>
          %dma_wait3A_215 = tpu.memref_squeeze %dma_wait3A_214 : memref<1x112xi32, #tpu.memory_space<vmem>> -> memref<112xi32, #tpu.memory_space<vmem>>
          %dma_wait3A_216 = arith.constant 0 : i32
          %dma_wait3A_217 = arith.constant 0 : i32
          %dma_wait3A_218 = tpu.memref_slice %arg14[%dma_wait3A_216, %dma_wait3A_217] : memref<10240x64xf32, #tpu.memory_space<vmem_shared>> -> memref<10240x64xf32, #tpu.memory_space<vmem_shared>>
          tpu.wait_indirect_dma semaphore(%arg22 : memref<!tpu.dma_semaphore, #tpu.memory_space<semaphore_mem>>) src(%arg12 : memref<112x64xf32, #tpu.memory_space<vmem>>) dst(%dma_wait3A_218 : memref<10240x64xf32, #tpu.memory_space<vmem_shared>>)
        } else {
        }
        %add3A_137 = arith.constant 2 : i32
        %add3A_138 = arith.addi %add3A_119, %add3A_137 : i32
        %dma_start3A_139 = arith.constant 0 : i32
        %dma_start3A_140 = tpu.memref_slice %arg7[%add3A_138, %dma_start3A_139] : memref<36x112xi32, #tpu.memory_space<vmem>> -> memref<1x112xi32, #tpu.memory_space<vmem>>
        %dma_start3A_141 = tpu.memref_squeeze %dma_start3A_140 : memref<1x112xi32, #tpu.memory_space<vmem>> -> memref<112xi32, #tpu.memory_space<vmem>>
        %dma_start3A_142 = arith.constant 0 : i32
        %dma_start3A_143 = arith.constant 0 : i32
        %dma_start3A_144 = tpu.memref_slice %arg13[%dma_start3A_142, %dma_start3A_143] : memref<10000x64xf32, #tpu.memory_space<vmem_shared>> -> memref<10000x64xf32, #tpu.memory_space<vmem_shared>>
        tpu.enqueue_indirect_dma source(%dma_start3A_144 : memref<10000x64xf32, #tpu.memory_space<vmem_shared>>) target(%arg12 : memref<112x64xf32, #tpu.memory_space<vmem>>) offsets(%dma_start3A_141 : memref<112xi32, #tpu.memory_space<vmem>>) semaphore(%arg18 : memref<!tpu.dma_semaphore, #tpu.memory_space<semaphore_mem>>)
        %eq3A_145 = arith.constant 0 : i32
        %eq3A_146 = arith.cmpi eq, %arg0, %eq3A_145 : i32
        %convert_element_type3A_147 = arith.extui %eq3A_146 : i1 to i32
        %cond3A_148 = arith.constant 0 : i32
        %cond3A_149 = arith.cmpi ne, %convert_element_type3A_147, %cond3A_148 : i32
        scf.if %cond3A_149 {
          %get3A = arith.index_cast %add3A_119 : i32 to index
          %get3A_213 = arith.constant 0 : index
          %get3A_214 = tpu.vector_load %arg8[%get3A, %get3A_213] {strides = array<i32>} : memref<36x112xi32, #tpu.memory_space<vmem>>, vector<16xi32>,
          tpu.vector_store_idx %arg23[%get3A_214], %broadcast_in_dim3A_29 {add = true} : memref<10240xf32, #tpu.memory_space<vmem>>[vector<16xi32>], vector<16xf32>,
          %get3A_215 = arith.index_cast %add3A_119 : i32 to index
          %get3A_216 = arith.constant 16 : index
          %get3A_217 = tpu.vector_load %arg8[%get3A_215, %get3A_216] {strides = array<i32>} : memref<36x112xi32, #tpu.memory_space<vmem>>, vector<16xi32>,
          tpu.vector_store_idx %arg23[%get3A_217], %broadcast_in_dim3A_29 {add = true} : memref<10240xf32, #tpu.memory_space<vmem>>[vector<16xi32>], vector<16xf32>,
          %get3A_218 = arith.index_cast %add3A_119 : i32 to index
          %get3A_219 = arith.constant 32 : index
          %get3A_220 = tpu.vector_load %arg8[%get3A_218, %get3A_219] {strides = array<i32>} : memref<36x112xi32, #tpu.memory_space<vmem>>, vector<16xi32>,
          tpu.vector_store_idx %arg23[%get3A_220], %broadcast_in_dim3A_29 {add = true} : memref<10240xf32, #tpu.memory_space<vmem>>[vector<16xi32>], vector<16xf32>,
          %get3A_221 = arith.index_cast %add3A_119 : i32 to index
          %get3A_222 = arith.constant 48 : index
          %get3A_223 = tpu.vector_load %arg8[%get3A_221, %get3A_222] {strides = array<i32>} : memref<36x112xi32, #tpu.memory_space<vmem>>, vector<16xi32>,
          tpu.vector_store_idx %arg23[%get3A_223], %broadcast_in_dim3A_29 {add = true} : memref<10240xf32, #tpu.memory_space<vmem>>[vector<16xi32>], vector<16xf32>,
          %get3A_224 = arith.index_cast %add3A_119 : i32 to index
          %get3A_225 = arith.constant 64 : index
          %get3A_226 = tpu.vector_load %arg8[%get3A_224, %get3A_225] {strides = array<i32>} : memref<36x112xi32, #tpu.memory_space<vmem>>, vector<16xi32>,
          tpu.vector_store_idx %arg23[%get3A_226], %broadcast_in_dim3A_29 {add = true} : memref<10240xf32, #tpu.memory_space<vmem>>[vector<16xi32>], vector<16xf32>,
          %get3A_227 = arith.index_cast %add3A_119 : i32 to index
          %get3A_228 = arith.constant 80 : index
          %get3A_229 = tpu.vector_load %arg8[%get3A_227, %get3A_228] {strides = array<i32>} : memref<36x112xi32, #tpu.memory_space<vmem>>, vector<16xi32>,
          tpu.vector_store_idx %arg23[%get3A_229], %broadcast_in_dim3A_29 {add = true} : memref<10240xf32, #tpu.memory_space<vmem>>[vector<16xi32>], vector<16xf32>,
          %get3A_230 = arith.index_cast %add3A_119 : i32 to index
          %get3A_231 = arith.constant 96 : index
          %get3A_232 = tpu.vector_load %arg8[%get3A_230, %get3A_231] {strides = array<i32>} : memref<36x112xi32, #tpu.memory_space<vmem>>, vector<16xi32>,
          tpu.vector_store_idx %arg23[%get3A_232], %broadcast_in_dim3A_29 {add = true} : memref<10240xf32, #tpu.memory_space<vmem>>[vector<16xi32>], vector<16xf32>,
        } else {
        }
        %mul3A_150 = arith.constant 4 : i32
        %mul3A_151 = arith.muli %scan3A_82, %mul3A_150 : i32
        %add3A_152 = arith.constant 2 : i32
        %add3A_153 = arith.addi %mul3A_151, %add3A_152 : i32
        %dma_wait3A_154 = arith.constant 0 : i32
        %dma_wait3A_155 = tpu.memref_slice %arg7[%add3A_153, %dma_wait3A_154] : memref<36x112xi32, #tpu.memory_space<vmem>> -> memref<1x112xi32, #tpu.memory_space<vmem>>
        %dma_wait3A_156 = tpu.memref_squeeze %dma_wait3A_155 : memref<1x112xi32, #tpu.memory_space<vmem>> -> memref<112xi32, #tpu.memory_space<vmem>>
        %dma_wait3A_157 = arith.constant 0 : i32
        %dma_wait3A_158 = arith.constant 0 : i32
        %dma_wait3A_159 = tpu.memref_slice %arg13[%dma_wait3A_157, %dma_wait3A_158] : memref<10000x64xf32, #tpu.memory_space<vmem_shared>> -> memref<10000x64xf32, #tpu.memory_space<vmem_shared>>
        tpu.wait_indirect_dma semaphore(%arg17 : memref<!tpu.dma_semaphore, #tpu.memory_space<semaphore_mem>>) src(%dma_wait3A_159 : memref<10000x64xf32, #tpu.memory_space<vmem_shared>>) dst(%arg11 : memref<112x64xf32, #tpu.memory_space<vmem>>)
        %dma_start3A_160 = arith.constant 0 : i32
        %dma_start3A_161 = tpu.memref_slice %arg8[%add3A_153, %dma_start3A_160] : memref<36x112xi32, #tpu.memory_space<vmem>> -> memref<1x112xi32, #tpu.memory_space<vmem>>
        %dma_start3A_162 = tpu.memref_squeeze %dma_start3A_161 : memref<1x112xi32, #tpu.memory_space<vmem>> -> memref<112xi32, #tpu.memory_space<vmem>>
        %dma_start3A_163 = arith.constant 0 : i32
        %dma_start3A_164 = arith.constant 0 : i32
        %dma_start3A_165 = tpu.memref_slice %arg14[%dma_start3A_163, %dma_start3A_164] : memref<10240x64xf32, #tpu.memory_space<vmem_shared>> -> memref<10240x64xf32, #tpu.memory_space<vmem_shared>>
        tpu.enqueue_indirect_dma source(%arg11 : memref<112x64xf32, #tpu.memory_space<vmem>>) target(%dma_start3A_165 : memref<10240x64xf32, #tpu.memory_space<vmem_shared>>) offsets(%dma_start3A_162 : memref<112xi32, #tpu.memory_space<vmem>>) semaphore(%arg21 : memref<!tpu.dma_semaphore, #tpu.memory_space<semaphore_mem>>) {add = true}
        %dma_wait3A_166 = arith.constant 0 : i32
        %dma_wait3A_167 = tpu.memref_slice %arg8[%add3A_153, %dma_wait3A_166] : memref<36x112xi32, #tpu.memory_space<vmem>> -> memref<1x112xi32, #tpu.memory_space<vmem>>
        %dma_wait3A_168 = tpu.memref_squeeze %dma_wait3A_167 : memref<1x112xi32, #tpu.memory_space<vmem>> -> memref<112xi32, #tpu.memory_space<vmem>>
        %dma_wait3A_169 = arith.constant 0 : i32
        %dma_wait3A_170 = arith.constant 0 : i32
        %dma_wait3A_171 = tpu.memref_slice %arg14[%dma_wait3A_169, %dma_wait3A_170] : memref<10240x64xf32, #tpu.memory_space<vmem_shared>> -> memref<10240x64xf32, #tpu.memory_space<vmem_shared>>
        tpu.wait_indirect_dma semaphore(%arg19 : memref<!tpu.dma_semaphore, #tpu.memory_space<semaphore_mem>>) src(%arg9 : memref<112x64xf32, #tpu.memory_space<vmem>>) dst(%dma_wait3A_171 : memref<10240x64xf32, #tpu.memory_space<vmem_shared>>)
        %lt3A = arith.constant 8 : i32
        %lt3A_172 = arith.cmpi slt, %scan3A_82, %lt3A : i32
        %convert_element_type3A_173 = arith.extui %lt3A_172 : i1 to i32
        %cond3A_174 = arith.constant 0 : i32
        %cond3A_175 = arith.cmpi ne, %convert_element_type3A_173, %cond3A_174 : i32
        scf.if %cond3A_175 {
          %add3A_213 = arith.constant 2 : i32
          %add3A_214 = arith.addi %add3A_153, %add3A_213 : i32
          %dma_start3A_215 = arith.constant 0 : i32
          %dma_start3A_216 = tpu.memref_slice %arg7[%add3A_214, %dma_start3A_215] : memref<36x112xi32, #tpu.memory_space<vmem>> -> memref<1x112xi32, #tpu.memory_space<vmem>>
          %dma_start3A_217 = tpu.memref_squeeze %dma_start3A_216 : memref<1x112xi32, #tpu.memory_space<vmem>> -> memref<112xi32, #tpu.memory_space<vmem>>
          %dma_start3A_218 = arith.constant 0 : i32
          %dma_start3A_219 = arith.constant 0 : i32
          %dma_start3A_220 = tpu.memref_slice %arg13[%dma_start3A_218, %dma_start3A_219] : memref<10000x64xf32, #tpu.memory_space<vmem_shared>> -> memref<10000x64xf32, #tpu.memory_space<vmem_shared>>
          tpu.enqueue_indirect_dma source(%dma_start3A_220 : memref<10000x64xf32, #tpu.memory_space<vmem_shared>>) target(%arg9 : memref<112x64xf32, #tpu.memory_space<vmem>>) offsets(%dma_start3A_217 : memref<112xi32, #tpu.memory_space<vmem>>) semaphore(%arg15 : memref<!tpu.dma_semaphore, #tpu.memory_space<semaphore_mem>>)
        } else {
        }
        %eq3A_176 = arith.constant 0 : i32
        %eq3A_177 = arith.cmpi eq, %arg0, %eq3A_176 : i32
        %convert_element_type3A_178 = arith.extui %eq3A_177 : i1 to i32
        %cond3A_179 = arith.constant 0 : i32
        %cond3A_180 = arith.cmpi ne, %convert_element_type3A_178, %cond3A_179 : i32
        scf.if %cond3A_180 {
          %get3A = arith.index_cast %add3A_153 : i32 to index
          %get3A_213 = arith.constant 0 : index
          %get3A_214 = tpu.vector_load %arg8[%get3A, %get3A_213] {strides = array<i32>} : memref<36x112xi32, #tpu.memory_space<vmem>>, vector<16xi32>,
          tpu.vector_store_idx %arg23[%get3A_214], %broadcast_in_dim3A_29 {add = true} : memref<10240xf32, #tpu.memory_space<vmem>>[vector<16xi32>], vector<16xf32>,
          %get3A_215 = arith.index_cast %add3A_153 : i32 to index
          %get3A_216 = arith.constant 16 : index
          %get3A_217 = tpu.vector_load %arg8[%get3A_215, %get3A_216] {strides = array<i32>} : memref<36x112xi32, #tpu.memory_space<vmem>>, vector<16xi32>,
          tpu.vector_store_idx %arg23[%get3A_217], %broadcast_in_dim3A_29 {add = true} : memref<10240xf32, #tpu.memory_space<vmem>>[vector<16xi32>], vector<16xf32>,
          %get3A_218 = arith.index_cast %add3A_153 : i32 to index
          %get3A_219 = arith.constant 32 : index
          %get3A_220 = tpu.vector_load %arg8[%get3A_218, %get3A_219] {strides = array<i32>} : memref<36x112xi32, #tpu.memory_space<vmem>>, vector<16xi32>,
          tpu.vector_store_idx %arg23[%get3A_220], %broadcast_in_dim3A_29 {add = true} : memref<10240xf32, #tpu.memory_space<vmem>>[vector<16xi32>], vector<16xf32>,
          %get3A_221 = arith.index_cast %add3A_153 : i32 to index
          %get3A_222 = arith.constant 48 : index
          %get3A_223 = tpu.vector_load %arg8[%get3A_221, %get3A_222] {strides = array<i32>} : memref<36x112xi32, #tpu.memory_space<vmem>>, vector<16xi32>,
          tpu.vector_store_idx %arg23[%get3A_223], %broadcast_in_dim3A_29 {add = true} : memref<10240xf32, #tpu.memory_space<vmem>>[vector<16xi32>], vector<16xf32>,
          %get3A_224 = arith.index_cast %add3A_153 : i32 to index
          %get3A_225 = arith.constant 64 : index
          %get3A_226 = tpu.vector_load %arg8[%get3A_224, %get3A_225] {strides = array<i32>} : memref<36x112xi32, #tpu.memory_space<vmem>>, vector<16xi32>,
          tpu.vector_store_idx %arg23[%get3A_226], %broadcast_in_dim3A_29 {add = true} : memref<10240xf32, #tpu.memory_space<vmem>>[vector<16xi32>], vector<16xf32>,
          %get3A_227 = arith.index_cast %add3A_153 : i32 to index
          %get3A_228 = arith.constant 80 : index
          %get3A_229 = tpu.vector_load %arg8[%get3A_227, %get3A_228] {strides = array<i32>} : memref<36x112xi32, #tpu.memory_space<vmem>>, vector<16xi32>,
          tpu.vector_store_idx %arg23[%get3A_229], %broadcast_in_dim3A_29 {add = true} : memref<10240xf32, #tpu.memory_space<vmem>>[vector<16xi32>], vector<16xf32>,
          %get3A_230 = arith.index_cast %add3A_153 : i32 to index
          %get3A_231 = arith.constant 96 : index
          %get3A_232 = tpu.vector_load %arg8[%get3A_230, %get3A_231] {strides = array<i32>} : memref<36x112xi32, #tpu.memory_space<vmem>>, vector<16xi32>,
          tpu.vector_store_idx %arg23[%get3A_232], %broadcast_in_dim3A_29 {add = true} : memref<10240xf32, #tpu.memory_space<vmem>>[vector<16xi32>], vector<16xf32>,
        } else {
        }
        %mul3A_181 = arith.constant 4 : i32
        %mul3A_182 = arith.muli %scan3A_82, %mul3A_181 : i32
        %add3A_183 = arith.constant 3 : i32
        %add3A_184 = arith.addi %mul3A_182, %add3A_183 : i32
        %dma_wait3A_185 = arith.constant 0 : i32
        %dma_wait3A_186 = tpu.memref_slice %arg7[%add3A_184, %dma_wait3A_185] : memref<36x112xi32, #tpu.memory_space<vmem>> -> memref<1x112xi32, #tpu.memory_space<vmem>>
        %dma_wait3A_187 = tpu.memref_squeeze %dma_wait3A_186 : memref<1x112xi32, #tpu.memory_space<vmem>> -> memref<112xi32, #tpu.memory_space<vmem>>
        %dma_wait3A_188 = arith.constant 0 : i32
        %dma_wait3A_189 = arith.constant 0 : i32
        %dma_wait3A_190 = tpu.memref_slice %arg13[%dma_wait3A_188, %dma_wait3A_189] : memref<10000x64xf32, #tpu.memory_space<vmem_shared>> -> memref<10000x64xf32, #tpu.memory_space<vmem_shared>>
        tpu.wait_indirect_dma semaphore(%arg18 : memref<!tpu.dma_semaphore, #tpu.memory_space<semaphore_mem>>) src(%dma_wait3A_190 : memref<10000x64xf32, #tpu.memory_space<vmem_shared>>) dst(%arg12 : memref<112x64xf32, #tpu.memory_space<vmem>>)
        %dma_start3A_191 = arith.constant 0 : i32
        %dma_start3A_192 = tpu.memref_slice %arg8[%add3A_184, %dma_start3A_191] : memref<36x112xi32, #tpu.memory_space<vmem>> -> memref<1x112xi32, #tpu.memory_space<vmem>>
        %dma_start3A_193 = tpu.memref_squeeze %dma_start3A_192 : memref<1x112xi32, #tpu.memory_space<vmem>> -> memref<112xi32, #tpu.memory_space<vmem>>
        %dma_start3A_194 = arith.constant 0 : i32
        %dma_start3A_195 = arith.constant 0 : i32
        %dma_start3A_196 = tpu.memref_slice %arg14[%dma_start3A_194, %dma_start3A_195] : memref<10240x64xf32, #tpu.memory_space<vmem_shared>> -> memref<10240x64xf32, #tpu.memory_space<vmem_shared>>
        tpu.enqueue_indirect_dma source(%arg12 : memref<112x64xf32, #tpu.memory_space<vmem>>) target(%dma_start3A_196 : memref<10240x64xf32, #tpu.memory_space<vmem_shared>>) offsets(%dma_start3A_193 : memref<112xi32, #tpu.memory_space<vmem>>) semaphore(%arg22 : memref<!tpu.dma_semaphore, #tpu.memory_space<semaphore_mem>>) {add = true}
        %dma_wait3A_197 = arith.constant 0 : i32
        %dma_wait3A_198 = tpu.memref_slice %arg8[%add3A_184, %dma_wait3A_197] : memref<36x112xi32, #tpu.memory_space<vmem>> -> memref<1x112xi32, #tpu.memory_space<vmem>>
        %dma_wait3A_199 = tpu.memref_squeeze %dma_wait3A_198 : memref<1x112xi32, #tpu.memory_space<vmem>> -> memref<112xi32, #tpu.memory_space<vmem>>
        %dma_wait3A_200 = arith.constant 0 : i32
        %dma_wait3A_201 = arith.constant 0 : i32
        %dma_wait3A_202 = tpu.memref_slice %arg14[%dma_wait3A_200, %dma_wait3A_201] : memref<10240x64xf32, #tpu.memory_space<vmem_shared>> -> memref<10240x64xf32, #tpu.memory_space<vmem_shared>>
        tpu.wait_indirect_dma semaphore(%arg20 : memref<!tpu.dma_semaphore, #tpu.memory_space<semaphore_mem>>) src(%arg10 : memref<112x64xf32, #tpu.memory_space<vmem>>) dst(%dma_wait3A_202 : memref<10240x64xf32, #tpu.memory_space<vmem_shared>>)
        %lt3A_203 = arith.constant 8 : i32
        %lt3A_204 = arith.cmpi slt, %scan3A_82, %lt3A_203 : i32
        %convert_element_type3A_205 = arith.extui %lt3A_204 : i1 to i32
        %cond3A_206 = arith.constant 0 : i32
        %cond3A_207 = arith.cmpi ne, %convert_element_type3A_205, %cond3A_206 : i32
        scf.if %cond3A_207 {
          %add3A_213 = arith.constant 2 : i32
          %add3A_214 = arith.addi %add3A_184, %add3A_213 : i32
          %dma_start3A_215 = arith.constant 0 : i32
          %dma_start3A_216 = tpu.memref_slice %arg7[%add3A_214, %dma_start3A_215] : memref<36x112xi32, #tpu.memory_space<vmem>> -> memref<1x112xi32, #tpu.memory_space<vmem>>
          %dma_start3A_217 = tpu.memref_squeeze %dma_start3A_216 : memref<1x112xi32, #tpu.memory_space<vmem>> -> memref<112xi32, #tpu.memory_space<vmem>>
          %dma_start3A_218 = arith.constant 0 : i32
          %dma_start3A_219 = arith.constant 0 : i32
          %dma_start3A_220 = tpu.memref_slice %arg13[%dma_start3A_218, %dma_start3A_219] : memref<10000x64xf32, #tpu.memory_space<vmem_shared>> -> memref<10000x64xf32, #tpu.memory_space<vmem_shared>>
          tpu.enqueue_indirect_dma source(%dma_start3A_220 : memref<10000x64xf32, #tpu.memory_space<vmem_shared>>) target(%arg10 : memref<112x64xf32, #tpu.memory_space<vmem>>) offsets(%dma_start3A_217 : memref<112xi32, #tpu.memory_space<vmem>>) semaphore(%arg16 : memref<!tpu.dma_semaphore, #tpu.memory_space<semaphore_mem>>)
        } else {
        }
        %eq3A_208 = arith.constant 0 : i32
        %eq3A_209 = arith.cmpi eq, %arg0, %eq3A_208 : i32
        %convert_element_type3A_210 = arith.extui %eq3A_209 : i1 to i32
        %cond3A_211 = arith.constant 0 : i32
        %cond3A_212 = arith.cmpi ne, %convert_element_type3A_210, %cond3A_211 : i32
        scf.if %cond3A_212 {
          %get3A = arith.index_cast %add3A_184 : i32 to index
          %get3A_213 = arith.constant 0 : index
          %get3A_214 = tpu.vector_load %arg8[%get3A, %get3A_213] {strides = array<i32>} : memref<36x112xi32, #tpu.memory_space<vmem>>, vector<16xi32>,
          tpu.vector_store_idx %arg23[%get3A_214], %broadcast_in_dim3A_29 {add = true} : memref<10240xf32, #tpu.memory_space<vmem>>[vector<16xi32>], vector<16xf32>,
          %get3A_215 = arith.index_cast %add3A_184 : i32 to index
          %get3A_216 = arith.constant 16 : index
          %get3A_217 = tpu.vector_load %arg8[%get3A_215, %get3A_216] {strides = array<i32>} : memref<36x112xi32, #tpu.memory_space<vmem>>, vector<16xi32>,
          tpu.vector_store_idx %arg23[%get3A_217], %broadcast_in_dim3A_29 {add = true} : memref<10240xf32, #tpu.memory_space<vmem>>[vector<16xi32>], vector<16xf32>,
          %get3A_218 = arith.index_cast %add3A_184 : i32 to index
          %get3A_219 = arith.constant 32 : index
          %get3A_220 = tpu.vector_load %arg8[%get3A_218, %get3A_219] {strides = array<i32>} : memref<36x112xi32, #tpu.memory_space<vmem>>, vector<16xi32>,
          tpu.vector_store_idx %arg23[%get3A_220], %broadcast_in_dim3A_29 {add = true} : memref<10240xf32, #tpu.memory_space<vmem>>[vector<16xi32>], vector<16xf32>,
          %get3A_221 = arith.index_cast %add3A_184 : i32 to index
          %get3A_222 = arith.constant 48 : index
          %get3A_223 = tpu.vector_load %arg8[%get3A_221, %get3A_222] {strides = array<i32>} : memref<36x112xi32, #tpu.memory_space<vmem>>, vector<16xi32>,
          tpu.vector_store_idx %arg23[%get3A_223], %broadcast_in_dim3A_29 {add = true} : memref<10240xf32, #tpu.memory_space<vmem>>[vector<16xi32>], vector<16xf32>,
          %get3A_224 = arith.index_cast %add3A_184 : i32 to index
          %get3A_225 = arith.constant 64 : index
          %get3A_226 = tpu.vector_load %arg8[%get3A_224, %get3A_225] {strides = array<i32>} : memref<36x112xi32, #tpu.memory_space<vmem>>, vector<16xi32>,
          tpu.vector_store_idx %arg23[%get3A_226], %broadcast_in_dim3A_29 {add = true} : memref<10240xf32, #tpu.memory_space<vmem>>[vector<16xi32>], vector<16xf32>,
          %get3A_227 = arith.index_cast %add3A_184 : i32 to index
          %get3A_228 = arith.constant 80 : index
          %get3A_229 = tpu.vector_load %arg8[%get3A_227, %get3A_228] {strides = array<i32>} : memref<36x112xi32, #tpu.memory_space<vmem>>, vector<16xi32>,
          tpu.vector_store_idx %arg23[%get3A_229], %broadcast_in_dim3A_29 {add = true} : memref<10240xf32, #tpu.memory_space<vmem>>[vector<16xi32>], vector<16xf32>,
          %get3A_230 = arith.index_cast %add3A_184 : i32 to index
          %get3A_231 = arith.constant 96 : index
          %get3A_232 = tpu.vector_load %arg8[%get3A_230, %get3A_231] {strides = array<i32>} : memref<36x112xi32, #tpu.memory_space<vmem>>, vector<16xi32>,
          tpu.vector_store_idx %arg23[%get3A_232], %broadcast_in_dim3A_29 {add = true} : memref<10240xf32, #tpu.memory_space<vmem>>[vector<16xi32>], vector<16xf32>,
        } else {
        }
      }
      %scan3A_68 = arith.constant 9 : i32
      %dma_wait3A = arith.constant 0 : i32
      %dma_wait3A_69 = arith.constant 0 : i32
      %dma_wait3A_70 = tpu.memref_slice %arg8[%dma_wait3A, %dma_wait3A_69] : memref<36x112xi32, #tpu.memory_space<vmem>> -> memref<1x112xi32, #tpu.memory_space<vmem>>
      %dma_wait3A_71 = tpu.memref_squeeze %dma_wait3A_70 : memref<1x112xi32, #tpu.memory_space<vmem>> -> memref<112xi32, #tpu.memory_space<vmem>>
      %dma_wait3A_72 = arith.constant 0 : i32
      %dma_wait3A_73 = arith.constant 0 : i32
      %dma_wait3A_74 = tpu.memref_slice %arg14[%dma_wait3A_72, %dma_wait3A_73] : memref<10240x64xf32, #tpu.memory_space<vmem_shared>> -> memref<10240x64xf32, #tpu.memory_space<vmem_shared>>
      tpu.wait_indirect_dma semaphore(%arg21 : memref<!tpu.dma_semaphore, #tpu.memory_space<semaphore_mem>>) src(%arg11 : memref<112x64xf32, #tpu.memory_space<vmem>>) dst(%dma_wait3A_74 : memref<10240x64xf32, #tpu.memory_space<vmem_shared>>)
      %dma_wait3A_75 = arith.constant 0 : i32
      %dma_wait3A_76 = arith.constant 0 : i32
      %dma_wait3A_77 = tpu.memref_slice %arg8[%dma_wait3A_75, %dma_wait3A_76] : memref<36x112xi32, #tpu.memory_space<vmem>> -> memref<1x112xi32, #tpu.memory_space<vmem>>
      %dma_wait3A_78 = tpu.memref_squeeze %dma_wait3A_77 : memref<1x112xi32, #tpu.memory_space<vmem>> -> memref<112xi32, #tpu.memory_space<vmem>>
      %dma_wait3A_79 = arith.constant 0 : i32
      %dma_wait3A_80 = arith.constant 0 : i32
      %dma_wait3A_81 = tpu.memref_slice %arg14[%dma_wait3A_79, %dma_wait3A_80] : memref<10240x64xf32, #tpu.memory_space<vmem_shared>> -> memref<10240x64xf32, #tpu.memory_space<vmem_shared>>
      tpu.wait_indirect_dma semaphore(%arg22 : memref<!tpu.dma_semaphore, #tpu.memory_space<semaphore_mem>>) src(%arg12 : memref<112x64xf32, #tpu.memory_space<vmem>>) dst(%dma_wait3A_81 : memref<10240x64xf32, #tpu.memory_space<vmem_shared>>)
    }
    %scan3A_35 = arith.constant 5 : i32
    %barrier3A_36 = arith.constant 0 : index
    tpu.barrier barrier_id(%barrier3A_36)
    %mul3A_37 = arith.constant 640 : i32
    %mul3A_38 = arith.muli %arg1, %mul3A_37 : i32
    %mul3A_39 = arith.constant 640 : i32
    %mul3A_40 = arith.muli %arg1, %mul3A_39 : i32
    "tpu.region"() ({
      %run_scoped3A = tpu.sem_alloc : memref<!tpu.dma_semaphore, #tpu.memory_space<semaphore_mem>>
      %dma_start3A = arith.constant 0 : i32
      %dma_start3A_43 = tpu.memref_slice %arg5[%arg0, %mul3A_40, %dma_start3A] : memref<2x10240x64xf32, #tpu.memory_space<hbm>> -> memref<1x640x64xf32, #tpu.memory_space<hbm>>
      %dma_start3A_44 = tpu.memref_squeeze %dma_start3A_43 : memref<1x640x64xf32, #tpu.memory_space<hbm>> -> memref<640x64xf32, #tpu.memory_space<hbm>>
      %dma_start3A_45 = arith.constant 0 : i32
      %dma_start3A_46 = tpu.memref_slice %arg14[%mul3A_38, %dma_start3A_45] : memref<10240x64xf32, #tpu.memory_space<vmem_shared>> -> memref<640x64xf32, #tpu.memory_space<vmem_shared>>
      tpu.enqueue_dma source(%dma_start3A_46 : memref<640x64xf32, #tpu.memory_space<vmem_shared>>) target(%dma_start3A_44 : memref<640x64xf32, #tpu.memory_space<hbm>>) target_semaphore(%run_scoped3A : memref<!tpu.dma_semaphore, #tpu.memory_space<semaphore_mem>>)
      %dma_wait3A = arith.constant 0 : i32
      %dma_wait3A_47 = tpu.memref_slice %arg5[%arg0, %mul3A_40, %dma_wait3A] : memref<2x10240x64xf32, #tpu.memory_space<hbm>> -> memref<1x640x64xf32, #tpu.memory_space<hbm>>
      %dma_wait3A_48 = tpu.memref_squeeze %dma_wait3A_47 : memref<1x640x64xf32, #tpu.memory_space<hbm>> -> memref<640x64xf32, #tpu.memory_space<hbm>>
      %dma_wait3A_49 = arith.constant 0 : i32
      %dma_wait3A_50 = tpu.memref_slice %arg14[%mul3A_38, %dma_wait3A_49] : memref<10240x64xf32, #tpu.memory_space<vmem_shared>> -> memref<640x64xf32, #tpu.memory_space<vmem_shared>>
      tpu.wait_dma2 semaphore(%run_scoped3A : memref<!tpu.dma_semaphore, #tpu.memory_space<semaphore_mem>>) src(%dma_wait3A_50 : memref<640x64xf32, #tpu.memory_space<vmem_shared>>) dst(%dma_wait3A_48 : memref<640x64xf32, #tpu.memory_space<hbm>>)
      tpu.yield
    }) : () -> ()
    %eq3A = arith.constant 0 : i32
    %eq3A_41 = arith.cmpi eq, %arg0, %eq3A : i32
    %convert_element_type3A = arith.extui %eq3A_41 : i1 to i32
    %cond3A = arith.constant 0 : i32
    %cond3A_42 = arith.cmpi ne, %convert_element_type3A, %cond3A : i32
    scf.if %cond3A_42 {
      "tpu.region"() ({
        %run_scoped3A = tpu.sem_alloc : memref<!tpu.dma_semaphore, #tpu.memory_space<semaphore_mem>>
        %dma_start3A = arith.constant 0 : i32
        %dma_start3A_43 = tpu.memref_slice %arg6[%arg1, %dma_start3A] : memref<16x10240xf32, #tpu.memory_space<hbm>> -> memref<1x10240xf32, #tpu.memory_space<hbm>>
        %dma_start3A_44 = tpu.memref_squeeze %dma_start3A_43 : memref<1x10240xf32, #tpu.memory_space<hbm>> -> memref<10240xf32, #tpu.memory_space<hbm>>
        %dma_start3A_45 = arith.constant 0 : i32
        %dma_start3A_46 = tpu.memref_slice %arg6[%arg1, %dma_start3A_45] : memref<16x10240xf32, #tpu.memory_space<hbm>> -> memref<1x10240xf32, #tpu.memory_space<hbm>>
        %dma_start3A_47 = tpu.memref_squeeze %dma_start3A_46 : memref<1x10240xf32, #tpu.memory_space<hbm>> -> memref<10240xf32, #tpu.memory_space<hbm>>
        tpu.enqueue_dma source(%arg23 : memref<10240xf32, #tpu.memory_space<vmem>>) target(%dma_start3A_47 : memref<10240xf32, #tpu.memory_space<hbm>>) target_semaphore(%run_scoped3A : memref<!tpu.dma_semaphore, #tpu.memory_space<semaphore_mem>>)
        %dma_wait3A = arith.constant 0 : i32
        %dma_wait3A_48 = tpu.memref_slice %arg6[%arg1, %dma_wait3A] : memref<16x10240xf32, #tpu.memory_space<hbm>> -> memref<1x10240xf32, #tpu.memory_space<hbm>>
        %dma_wait3A_49 = tpu.memref_squeeze %dma_wait3A_48 : memref<1x10240xf32, #tpu.memory_space<hbm>> -> memref<10240xf32, #tpu.memory_space<hbm>>
        %dma_wait3A_50 = arith.constant 0 : i32
        %dma_wait3A_51 = tpu.memref_slice %arg6[%arg1, %dma_wait3A_50] : memref<16x10240xf32, #tpu.memory_space<hbm>> -> memref<1x10240xf32, #tpu.memory_space<hbm>>
        %dma_wait3A_52 = tpu.memref_squeeze %dma_wait3A_51 : memref<1x10240xf32, #tpu.memory_space<hbm>> -> memref<10240xf32, #tpu.memory_space<hbm>>
        tpu.wait_dma2 semaphore(%run_scoped3A : memref<!tpu.dma_semaphore, #tpu.memory_space<semaphore_mem>>) src(%arg23 : memref<10240xf32, #tpu.memory_space<vmem>>) dst(%dma_wait3A_52 : memref<10240xf32, #tpu.memory_space<hbm>>)
        tpu.yield
      }) : () -> ()
    } else {
    }
    return
  }
}

#map = affine_map<(d0, d1) -> (0, 0)>
#map1 = affine_map<(d0, d1) -> (0, 0, 0)>
module attributes {stable_mosaic.version = 14 : i64} {
  func.func @seg_kernel(%arg0: i32, %arg1: i32, %arg2: memref<10000x64xf32, #tpu.memory_space<hbm>>, %arg3: memref<2944x112xi32, #tpu.memory_space<hbm>>, %arg4: memref<2944x112xi32, #tpu.memory_space<hbm>>, %arg5: memref<2x10240x64xf32, #tpu.memory_space<hbm>>, %arg6: memref<92x112xi32, #tpu.memory_space<vmem>>, %arg7: memref<92x112xi32, #tpu.memory_space<vmem>>, %arg8: memref<112x64xf32, #tpu.memory_space<vmem>>, %arg9: memref<112x64xf32, #tpu.memory_space<vmem>>, %arg10: memref<112x64xf32, #tpu.memory_space<vmem>>, %arg11: memref<112x64xf32, #tpu.memory_space<vmem>>, %arg12: memref<10000x64xf32, #tpu.memory_space<vmem_shared>>, %arg13: memref<10240x64xf32, #tpu.memory_space<vmem_shared>>, %arg14: memref<!tpu.dma_semaphore, #tpu.memory_space<semaphore_mem>>, %arg15: memref<!tpu.dma_semaphore, #tpu.memory_space<semaphore_mem>>, %arg16: memref<!tpu.dma_semaphore, #tpu.memory_space<semaphore_mem>>, %arg17: memref<!tpu.dma_semaphore, #tpu.memory_space<semaphore_mem>>, %arg18: memref<!tpu.dma_semaphore, #tpu.memory_space<semaphore_mem>>, %arg19: memref<!tpu.dma_semaphore, #tpu.memory_space<semaphore_mem>>, %arg20: memref<!tpu.dma_semaphore, #tpu.memory_space<semaphore_mem>>, %arg21: memref<!tpu.dma_semaphore, #tpu.memory_space<semaphore_mem>>) attributes {dimension_semantics = [#tpu.dimension_semantics<core_parallel>, #tpu.dimension_semantics<subcore_parallel>], iteration_bounds = array<i64: 2, 16>, scalar_prefetch = 0 : i64, scratch_operands = 16 : i64, tpu.core_type = #tpu.core_type<sc_vector_subcore>, window_params = [{transform_indices = #map}, {transform_indices = #map}, {transform_indices = #map}, {transform_indices = #map1}]} {
    %mul3A = arith.constant 2 : i32
    %mul3A_0 = arith.muli %arg1, %mul3A : i32
    %add3A = arith.addi %mul3A_0, %arg0 : i32
    %mul3A_1 = arith.constant 92 : i32
    %mul3A_2 = arith.muli %add3A, %mul3A_1 : i32
    %mul3A_3 = arith.constant 625 : i32
    %mul3A_4 = arith.muli %arg1, %mul3A_3 : i32
    %mul3A_5 = arith.constant 625 : i32
    %mul3A_6 = arith.muli %arg1, %mul3A_5 : i32
    "tpu.region"() ({
      %run_scoped3A = tpu.sem_alloc : memref<!tpu.dma_semaphore, #tpu.memory_space<semaphore_mem>>
      %dma_start3A_71 = arith.constant 0 : i32
      %dma_start3A_72 = tpu.memref_slice %arg12[%mul3A_6, %dma_start3A_71] : memref<10000x64xf32, #tpu.memory_space<vmem_shared>> -> memref<625x64xf32, #tpu.memory_space<vmem_shared>>
      %dma_start3A_73 = arith.constant 0 : i32
      %dma_start3A_74 = tpu.memref_slice %arg2[%mul3A_4, %dma_start3A_73] : memref<10000x64xf32, #tpu.memory_space<hbm>> -> memref<625x64xf32, #tpu.memory_space<hbm>>
      tpu.enqueue_dma source(%dma_start3A_74 : memref<625x64xf32, #tpu.memory_space<hbm>>) target(%dma_start3A_72 : memref<625x64xf32, #tpu.memory_space<vmem_shared>>) target_semaphore(%run_scoped3A : memref<!tpu.dma_semaphore, #tpu.memory_space<semaphore_mem>>)
      %dma_wait3A_75 = arith.constant 0 : i32
      %dma_wait3A_76 = tpu.memref_slice %arg12[%mul3A_6, %dma_wait3A_75] : memref<10000x64xf32, #tpu.memory_space<vmem_shared>> -> memref<625x64xf32, #tpu.memory_space<vmem_shared>>
      %dma_wait3A_77 = arith.constant 0 : i32
      %dma_wait3A_78 = tpu.memref_slice %arg2[%mul3A_4, %dma_wait3A_77] : memref<10000x64xf32, #tpu.memory_space<hbm>> -> memref<625x64xf32, #tpu.memory_space<hbm>>
      tpu.wait_dma2 semaphore(%run_scoped3A : memref<!tpu.dma_semaphore, #tpu.memory_space<semaphore_mem>>) src(%dma_wait3A_78 : memref<625x64xf32, #tpu.memory_space<hbm>>) dst(%dma_wait3A_76 : memref<625x64xf32, #tpu.memory_space<vmem_shared>>)
      tpu.yield
    }) : () -> ()
    %broadcast_in_dim3A = arith.constant 0.000000e+00 : f32
    %broadcast_in_dim3A_7 = vector.broadcast %broadcast_in_dim3A : f32 to vector<16xf32>
    %scan3A = arith.constant 0 : i32
    %scan3A_8 = arith.constant 0 : i32
    %scan3A_9 = arith.constant 112 : i32
    %scan3A_10 = arith.addi %scan3A_8, %scan3A_9 : i32
    %scan3A_11 = arith.constant 1 : i32
    scf.for %scan3A_71 = %scan3A_8 to %scan3A_10 step %scan3A_11  : i32 {
      %swap3A = arith.index_cast %scan3A_71 : i32 to index
      %swap3A_72 = arith.constant 0 : index
      %swap3A_73 = tpu.vector_load %arg8[%swap3A, %swap3A_72] {strides = array<i32>} : memref<112x64xf32, #tpu.memory_space<vmem>>, vector<16xf32>,
      tpu.vector_store %arg8[%swap3A, %swap3A_72], %broadcast_in_dim3A_7 {strides = array<i32>} : memref<112x64xf32, #tpu.memory_space<vmem>>, vector<16xf32>,
      %swap3A_74 = arith.index_cast %scan3A_71 : i32 to index
      %swap3A_75 = arith.constant 16 : index
      %swap3A_76 = tpu.vector_load %arg8[%swap3A_74, %swap3A_75] {strides = array<i32>} : memref<112x64xf32, #tpu.memory_space<vmem>>, vector<16xf32>,
      tpu.vector_store %arg8[%swap3A_74, %swap3A_75], %broadcast_in_dim3A_7 {strides = array<i32>} : memref<112x64xf32, #tpu.memory_space<vmem>>, vector<16xf32>,
      %swap3A_77 = arith.index_cast %scan3A_71 : i32 to index
      %swap3A_78 = arith.constant 32 : index
      %swap3A_79 = tpu.vector_load %arg8[%swap3A_77, %swap3A_78] {strides = array<i32>} : memref<112x64xf32, #tpu.memory_space<vmem>>, vector<16xf32>,
      tpu.vector_store %arg8[%swap3A_77, %swap3A_78], %broadcast_in_dim3A_7 {strides = array<i32>} : memref<112x64xf32, #tpu.memory_space<vmem>>, vector<16xf32>,
      %swap3A_80 = arith.index_cast %scan3A_71 : i32 to index
      %swap3A_81 = arith.constant 48 : index
      %swap3A_82 = tpu.vector_load %arg8[%swap3A_80, %swap3A_81] {strides = array<i32>} : memref<112x64xf32, #tpu.memory_space<vmem>>, vector<16xf32>,
      tpu.vector_store %arg8[%swap3A_80, %swap3A_81], %broadcast_in_dim3A_7 {strides = array<i32>} : memref<112x64xf32, #tpu.memory_space<vmem>>, vector<16xf32>,
    }
    %scan3A_12 = arith.constant 112 : i32
    %scan3A_13 = arith.constant 0 : i32
    %scan3A_14 = arith.constant 0 : i32
    %scan3A_15 = arith.constant 5 : i32
    %scan3A_16 = arith.addi %scan3A_14, %scan3A_15 : i32
    %scan3A_17 = arith.constant 1 : i32
    scf.for %scan3A_71 = %scan3A_14 to %scan3A_16 step %scan3A_17  : i32 {
      %mul3A_72 = arith.constant 640 : i32
      %mul3A_73 = arith.muli %arg1, %mul3A_72 : i32
      %mul3A_74 = arith.constant 112 : i32
      %mul3A_75 = arith.muli %scan3A_71, %mul3A_74 : i32
      %add3A_76 = arith.addi %mul3A_73, %mul3A_75 : i32
      "tpu.region"() ({
        %run_scoped3A = tpu.sem_alloc : memref<!tpu.dma_semaphore, #tpu.memory_space<semaphore_mem>>
        %dma_start3A_77 = arith.constant 0 : i32
        %dma_start3A_78 = arith.constant 0 : i32
        %dma_start3A_79 = tpu.memref_slice %arg8[%dma_start3A_77, %dma_start3A_78] : memref<112x64xf32, #tpu.memory_space<vmem>> -> memref<112x64xf32, #tpu.memory_space<vmem>>
        %dma_start3A_80 = arith.constant 0 : i32
        %dma_start3A_81 = tpu.memref_slice %arg13[%add3A_76, %dma_start3A_80] : memref<10240x64xf32, #tpu.memory_space<vmem_shared>> -> memref<112x64xf32, #tpu.memory_space<vmem_shared>>
        %dma_start3A_82 = arith.constant 0 : i32
        %dma_start3A_83 = tpu.memref_slice %arg13[%add3A_76, %dma_start3A_82] : memref<10240x64xf32, #tpu.memory_space<vmem_shared>> -> memref<112x64xf32, #tpu.memory_space<vmem_shared>>
        %dma_start3A_84 = arith.constant 0 : i32
        %dma_start3A_85 = arith.constant 0 : i32
        %dma_start3A_86 = tpu.memref_slice %arg8[%dma_start3A_84, %dma_start3A_85] : memref<112x64xf32, #tpu.memory_space<vmem>> -> memref<112x64xf32, #tpu.memory_space<vmem>>
        tpu.enqueue_dma source(%dma_start3A_86 : memref<112x64xf32, #tpu.memory_space<vmem>>) target(%dma_start3A_83 : memref<112x64xf32, #tpu.memory_space<vmem_shared>>) target_semaphore(%run_scoped3A : memref<!tpu.dma_semaphore, #tpu.memory_space<semaphore_mem>>)
        %dma_wait3A_87 = arith.constant 0 : i32
        %dma_wait3A_88 = arith.constant 0 : i32
        %dma_wait3A_89 = tpu.memref_slice %arg8[%dma_wait3A_87, %dma_wait3A_88] : memref<112x64xf32, #tpu.memory_space<vmem>> -> memref<112x64xf32, #tpu.memory_space<vmem>>
        %dma_wait3A_90 = arith.constant 0 : i32
        %dma_wait3A_91 = tpu.memref_slice %arg13[%add3A_76, %dma_wait3A_90] : memref<10240x64xf32, #tpu.memory_space<vmem_shared>> -> memref<112x64xf32, #tpu.memory_space<vmem_shared>>
        %dma_wait3A_92 = arith.constant 0 : i32
        %dma_wait3A_93 = tpu.memref_slice %arg13[%add3A_76, %dma_wait3A_92] : memref<10240x64xf32, #tpu.memory_space<vmem_shared>> -> memref<112x64xf32, #tpu.memory_space<vmem_shared>>
        %dma_wait3A_94 = arith.constant 0 : i32
        %dma_wait3A_95 = arith.constant 0 : i32
        %dma_wait3A_96 = tpu.memref_slice %arg8[%dma_wait3A_94, %dma_wait3A_95] : memref<112x64xf32, #tpu.memory_space<vmem>> -> memref<112x64xf32, #tpu.memory_space<vmem>>
        tpu.wait_dma2 semaphore(%run_scoped3A : memref<!tpu.dma_semaphore, #tpu.memory_space<semaphore_mem>>) src(%dma_wait3A_96 : memref<112x64xf32, #tpu.memory_space<vmem>>) dst(%dma_wait3A_93 : memref<112x64xf32, #tpu.memory_space<vmem_shared>>)
        tpu.yield
      }) : () -> ()
    }
    %scan3A_18 = arith.constant 5 : i32
    %mul3A_19 = arith.constant 640 : i32
    %mul3A_20 = arith.muli %arg1, %mul3A_19 : i32
    %add3A_21 = arith.constant 560 : i32
    %add3A_22 = arith.addi %mul3A_20, %add3A_21 : i32
    "tpu.region"() ({
      %run_scoped3A = tpu.sem_alloc : memref<!tpu.dma_semaphore, #tpu.memory_space<semaphore_mem>>
      %dma_start3A_71 = arith.constant 0 : i32
      %dma_start3A_72 = arith.constant 0 : i32
      %dma_start3A_73 = tpu.memref_slice %arg8[%dma_start3A_71, %dma_start3A_72] : memref<112x64xf32, #tpu.memory_space<vmem>> -> memref<80x64xf32, #tpu.memory_space<vmem>>
      %dma_start3A_74 = arith.constant 0 : i32
      %dma_start3A_75 = tpu.memref_slice %arg13[%add3A_22, %dma_start3A_74] : memref<10240x64xf32, #tpu.memory_space<vmem_shared>> -> memref<80x64xf32, #tpu.memory_space<vmem_shared>>
      %dma_start3A_76 = arith.constant 0 : i32
      %dma_start3A_77 = tpu.memref_slice %arg13[%add3A_22, %dma_start3A_76] : memref<10240x64xf32, #tpu.memory_space<vmem_shared>> -> memref<80x64xf32, #tpu.memory_space<vmem_shared>>
      %dma_start3A_78 = arith.constant 0 : i32
      %dma_start3A_79 = arith.constant 0 : i32
      %dma_start3A_80 = tpu.memref_slice %arg8[%dma_start3A_78, %dma_start3A_79] : memref<112x64xf32, #tpu.memory_space<vmem>> -> memref<80x64xf32, #tpu.memory_space<vmem>>
      tpu.enqueue_dma source(%dma_start3A_80 : memref<80x64xf32, #tpu.memory_space<vmem>>) target(%dma_start3A_77 : memref<80x64xf32, #tpu.memory_space<vmem_shared>>) target_semaphore(%run_scoped3A : memref<!tpu.dma_semaphore, #tpu.memory_space<semaphore_mem>>)
      %dma_wait3A_81 = arith.constant 0 : i32
      %dma_wait3A_82 = arith.constant 0 : i32
      %dma_wait3A_83 = tpu.memref_slice %arg8[%dma_wait3A_81, %dma_wait3A_82] : memref<112x64xf32, #tpu.memory_space<vmem>> -> memref<80x64xf32, #tpu.memory_space<vmem>>
      %dma_wait3A_84 = arith.constant 0 : i32
      %dma_wait3A_85 = tpu.memref_slice %arg13[%add3A_22, %dma_wait3A_84] : memref<10240x64xf32, #tpu.memory_space<vmem_shared>> -> memref<80x64xf32, #tpu.memory_space<vmem_shared>>
      %dma_wait3A_86 = arith.constant 0 : i32
      %dma_wait3A_87 = tpu.memref_slice %arg13[%add3A_22, %dma_wait3A_86] : memref<10240x64xf32, #tpu.memory_space<vmem_shared>> -> memref<80x64xf32, #tpu.memory_space<vmem_shared>>
      %dma_wait3A_88 = arith.constant 0 : i32
      %dma_wait3A_89 = arith.constant 0 : i32
      %dma_wait3A_90 = tpu.memref_slice %arg8[%dma_wait3A_88, %dma_wait3A_89] : memref<112x64xf32, #tpu.memory_space<vmem>> -> memref<80x64xf32, #tpu.memory_space<vmem>>
      tpu.wait_dma2 semaphore(%run_scoped3A : memref<!tpu.dma_semaphore, #tpu.memory_space<semaphore_mem>>) src(%dma_wait3A_90 : memref<80x64xf32, #tpu.memory_space<vmem>>) dst(%dma_wait3A_87 : memref<80x64xf32, #tpu.memory_space<vmem_shared>>)
      tpu.yield
    }) : () -> ()
    %barrier3A = arith.constant 0 : index
    tpu.barrier barrier_id(%barrier3A)
    %broadcast_in_dim3A_23 = arith.constant 1.000000e+00 : f32
    %broadcast_in_dim3A_24 = vector.broadcast %broadcast_in_dim3A_23 : f32 to vector<16xf32>
    %scan3A_25 = arith.constant 0 : i32
    %scan3A_26 = arith.constant 0 : i32
    %mul3A_27 = arith.constant 92 : i32
    %mul3A_28 = arith.muli %scan3A_26, %mul3A_27 : i32
    %add3A_29 = arith.addi %mul3A_2, %mul3A_28 : i32
    "tpu.region"() ({
      %run_scoped3A = tpu.sem_alloc : memref<!tpu.dma_semaphore, #tpu.memory_space<semaphore_mem>>
      %dma_start3A_71 = arith.constant 0 : i32
      %dma_start3A_72 = tpu.memref_slice %arg3[%add3A_29, %dma_start3A_71] : memref<2944x112xi32, #tpu.memory_space<hbm>> -> memref<92x112xi32, #tpu.memory_space<hbm>>
      %dma_start3A_73 = arith.constant 0 : i32
      %dma_start3A_74 = tpu.memref_slice %arg3[%add3A_29, %dma_start3A_73] : memref<2944x112xi32, #tpu.memory_space<hbm>> -> memref<92x112xi32, #tpu.memory_space<hbm>>
      tpu.enqueue_dma source(%dma_start3A_74 : memref<92x112xi32, #tpu.memory_space<hbm>>) target(%arg6 : memref<92x112xi32, #tpu.memory_space<vmem>>) target_semaphore(%run_scoped3A : memref<!tpu.dma_semaphore, #tpu.memory_space<semaphore_mem>>)
      %dma_wait3A_75 = arith.constant 0 : i32
      %dma_wait3A_76 = tpu.memref_slice %arg3[%add3A_29, %dma_wait3A_75] : memref<2944x112xi32, #tpu.memory_space<hbm>> -> memref<92x112xi32, #tpu.memory_space<hbm>>
      %dma_wait3A_77 = arith.constant 0 : i32
      %dma_wait3A_78 = tpu.memref_slice %arg3[%add3A_29, %dma_wait3A_77] : memref<2944x112xi32, #tpu.memory_space<hbm>> -> memref<92x112xi32, #tpu.memory_space<hbm>>
      tpu.wait_dma2 semaphore(%run_scoped3A : memref<!tpu.dma_semaphore, #tpu.memory_space<semaphore_mem>>) src(%dma_wait3A_78 : memref<92x112xi32, #tpu.memory_space<hbm>>) dst(%arg6 : memref<92x112xi32, #tpu.memory_space<vmem>>)
      tpu.yield
    }) : () -> ()
    %mul3A_30 = arith.constant 92 : i32
    %mul3A_31 = arith.muli %scan3A_26, %mul3A_30 : i32
    %add3A_32 = arith.addi %mul3A_2, %mul3A_31 : i32
    "tpu.region"() ({
      %run_scoped3A = tpu.sem_alloc : memref<!tpu.dma_semaphore, #tpu.memory_space<semaphore_mem>>
      %dma_start3A_71 = arith.constant 0 : i32
      %dma_start3A_72 = tpu.memref_slice %arg4[%add3A_32, %dma_start3A_71] : memref<2944x112xi32, #tpu.memory_space<hbm>> -> memref<92x112xi32, #tpu.memory_space<hbm>>
      %dma_start3A_73 = arith.constant 0 : i32
      %dma_start3A_74 = tpu.memref_slice %arg4[%add3A_32, %dma_start3A_73] : memref<2944x112xi32, #tpu.memory_space<hbm>> -> memref<92x112xi32, #tpu.memory_space<hbm>>
      tpu.enqueue_dma source(%dma_start3A_74 : memref<92x112xi32, #tpu.memory_space<hbm>>) target(%arg7 : memref<92x112xi32, #tpu.memory_space<vmem>>) target_semaphore(%run_scoped3A : memref<!tpu.dma_semaphore, #tpu.memory_space<semaphore_mem>>)
      %dma_wait3A_75 = arith.constant 0 : i32
      %dma_wait3A_76 = tpu.memref_slice %arg4[%add3A_32, %dma_wait3A_75] : memref<2944x112xi32, #tpu.memory_space<hbm>> -> memref<92x112xi32, #tpu.memory_space<hbm>>
      %dma_wait3A_77 = arith.constant 0 : i32
      %dma_wait3A_78 = tpu.memref_slice %arg4[%add3A_32, %dma_wait3A_77] : memref<2944x112xi32, #tpu.memory_space<hbm>> -> memref<92x112xi32, #tpu.memory_space<hbm>>
      tpu.wait_dma2 semaphore(%run_scoped3A : memref<!tpu.dma_semaphore, #tpu.memory_space<semaphore_mem>>) src(%dma_wait3A_78 : memref<92x112xi32, #tpu.memory_space<hbm>>) dst(%arg7 : memref<92x112xi32, #tpu.memory_space<vmem>>)
      tpu.yield
    }) : () -> ()
    %dma_start3A = arith.constant 0 : i32
    %dma_start3A_33 = arith.constant 0 : i32
    %dma_start3A_34 = tpu.memref_slice %arg6[%dma_start3A, %dma_start3A_33] : memref<92x112xi32, #tpu.memory_space<vmem>> -> memref<1x112xi32, #tpu.memory_space<vmem>>
    %dma_start3A_35 = tpu.memref_squeeze %dma_start3A_34 : memref<1x112xi32, #tpu.memory_space<vmem>> -> memref<112xi32, #tpu.memory_space<vmem>>
    %dma_start3A_36 = arith.constant 0 : i32
    %dma_start3A_37 = arith.constant 0 : i32
    %dma_start3A_38 = tpu.memref_slice %arg12[%dma_start3A_36, %dma_start3A_37] : memref<10000x64xf32, #tpu.memory_space<vmem_shared>> -> memref<10000x64xf32, #tpu.memory_space<vmem_shared>>
    tpu.enqueue_indirect_dma source(%dma_start3A_38 : memref<10000x64xf32, #tpu.memory_space<vmem_shared>>) target(%arg8 : memref<112x64xf32, #tpu.memory_space<vmem>>) offsets(%dma_start3A_35 : memref<112xi32, #tpu.memory_space<vmem>>) semaphore(%arg14 : memref<!tpu.dma_semaphore, #tpu.memory_space<semaphore_mem>>)
    %dma_start3A_39 = arith.constant 1 : i32
    %dma_start3A_40 = arith.constant 0 : i32
    %dma_start3A_41 = tpu.memref_slice %arg6[%dma_start3A_39, %dma_start3A_40] : memref<92x112xi32, #tpu.memory_space<vmem>> -> memref<1x112xi32, #tpu.memory_space<vmem>>
    %dma_start3A_42 = tpu.memref_squeeze %dma_start3A_41 : memref<1x112xi32, #tpu.memory_space<vmem>> -> memref<112xi32, #tpu.memory_space<vmem>>
    %dma_start3A_43 = arith.constant 0 : i32
    %dma_start3A_44 = arith.constant 0 : i32
    %dma_start3A_45 = tpu.memref_slice %arg12[%dma_start3A_43, %dma_start3A_44] : memref<10000x64xf32, #tpu.memory_space<vmem_shared>> -> memref<10000x64xf32, #tpu.memory_space<vmem_shared>>
    tpu.enqueue_indirect_dma source(%dma_start3A_45 : memref<10000x64xf32, #tpu.memory_space<vmem_shared>>) target(%arg9 : memref<112x64xf32, #tpu.memory_space<vmem>>) offsets(%dma_start3A_42 : memref<112xi32, #tpu.memory_space<vmem>>) semaphore(%arg15 : memref<!tpu.dma_semaphore, #tpu.memory_space<semaphore_mem>>)
    %scan3A_46 = arith.constant 0 : i32
    %scan3A_47 = arith.constant 0 : i32
    %scan3A_48 = arith.constant 23 : i32
    %scan3A_49 = arith.addi %scan3A_47, %scan3A_48 : i32
    %scan3A_50 = arith.constant 1 : i32
    scf.for %scan3A_71 = %scan3A_47 to %scan3A_49 step %scan3A_50  : i32 {
      %mul3A_72 = arith.constant 4 : i32
      %mul3A_73 = arith.muli %scan3A_71, %mul3A_72 : i32
      %add3A_74 = arith.constant 0 : i32
      %add3A_75 = arith.addi %mul3A_73, %add3A_74 : i32
      %dma_wait3A_76 = arith.constant 0 : i32
      %dma_wait3A_77 = tpu.memref_slice %arg6[%add3A_75, %dma_wait3A_76] : memref<92x112xi32, #tpu.memory_space<vmem>> -> memref<1x112xi32, #tpu.memory_space<vmem>>
      %dma_wait3A_78 = tpu.memref_squeeze %dma_wait3A_77 : memref<1x112xi32, #tpu.memory_space<vmem>> -> memref<112xi32, #tpu.memory_space<vmem>>
      %dma_wait3A_79 = arith.constant 0 : i32
      %dma_wait3A_80 = arith.constant 0 : i32
      %dma_wait3A_81 = tpu.memref_slice %arg12[%dma_wait3A_79, %dma_wait3A_80] : memref<10000x64xf32, #tpu.memory_space<vmem_shared>> -> memref<10000x64xf32, #tpu.memory_space<vmem_shared>>
      tpu.wait_indirect_dma semaphore(%arg14 : memref<!tpu.dma_semaphore, #tpu.memory_space<semaphore_mem>>) src(%dma_wait3A_81 : memref<10000x64xf32, #tpu.memory_space<vmem_shared>>) dst(%arg8 : memref<112x64xf32, #tpu.memory_space<vmem>>)
      %dma_start3A_82 = arith.constant 0 : i32
      %dma_start3A_83 = tpu.memref_slice %arg7[%add3A_75, %dma_start3A_82] : memref<92x112xi32, #tpu.memory_space<vmem>> -> memref<1x112xi32, #tpu.memory_space<vmem>>
      %dma_start3A_84 = tpu.memref_squeeze %dma_start3A_83 : memref<1x112xi32, #tpu.memory_space<vmem>> -> memref<112xi32, #tpu.memory_space<vmem>>
      %dma_start3A_85 = arith.constant 0 : i32
      %dma_start3A_86 = arith.constant 0 : i32
      %dma_start3A_87 = tpu.memref_slice %arg13[%dma_start3A_85, %dma_start3A_86] : memref<10240x64xf32, #tpu.memory_space<vmem_shared>> -> memref<10240x64xf32, #tpu.memory_space<vmem_shared>>
      tpu.enqueue_indirect_dma source(%arg8 : memref<112x64xf32, #tpu.memory_space<vmem>>) target(%dma_start3A_87 : memref<10240x64xf32, #tpu.memory_space<vmem_shared>>) offsets(%dma_start3A_84 : memref<112xi32, #tpu.memory_space<vmem>>) semaphore(%arg18 : memref<!tpu.dma_semaphore, #tpu.memory_space<semaphore_mem>>) {add = true}
      %gt3A = arith.constant 0 : i32
      %gt3A_88 = arith.cmpi sgt, %scan3A_71, %gt3A : i32
      %convert_element_type3A = arith.extui %gt3A_88 : i1 to i32
      %cond3A = arith.constant 0 : i32
      %cond3A_89 = arith.cmpi ne, %convert_element_type3A, %cond3A : i32
      scf.if %cond3A_89 {
        %dma_wait3A_180 = arith.constant 0 : i32
        %dma_wait3A_181 = tpu.memref_slice %arg7[%add3A_75, %dma_wait3A_180] : memref<92x112xi32, #tpu.memory_space<vmem>> -> memref<1x112xi32, #tpu.memory_space<vmem>>
        %dma_wait3A_182 = tpu.memref_squeeze %dma_wait3A_181 : memref<1x112xi32, #tpu.memory_space<vmem>> -> memref<112xi32, #tpu.memory_space<vmem>>
        %dma_wait3A_183 = arith.constant 0 : i32
        %dma_wait3A_184 = arith.constant 0 : i32
        %dma_wait3A_185 = tpu.memref_slice %arg13[%dma_wait3A_183, %dma_wait3A_184] : memref<10240x64xf32, #tpu.memory_space<vmem_shared>> -> memref<10240x64xf32, #tpu.memory_space<vmem_shared>>
        tpu.wait_indirect_dma semaphore(%arg20 : memref<!tpu.dma_semaphore, #tpu.memory_space<semaphore_mem>>) src(%arg10 : memref<112x64xf32, #tpu.memory_space<vmem>>) dst(%dma_wait3A_185 : memref<10240x64xf32, #tpu.memory_space<vmem_shared>>)
      } else {
      }
      %add3A_90 = arith.constant 2 : i32
      %add3A_91 = arith.addi %add3A_75, %add3A_90 : i32
      %dma_start3A_92 = arith.constant 0 : i32
      %dma_start3A_93 = tpu.memref_slice %arg6[%add3A_91, %dma_start3A_92] : memref<92x112xi32, #tpu.memory_space<vmem>> -> memref<1x112xi32, #tpu.memory_space<vmem>>
      %dma_start3A_94 = tpu.memref_squeeze %dma_start3A_93 : memref<1x112xi32, #tpu.memory_space<vmem>> -> memref<112xi32, #tpu.memory_space<vmem>>
      %dma_start3A_95 = arith.constant 0 : i32
      %dma_start3A_96 = arith.constant 0 : i32
      %dma_start3A_97 = tpu.memref_slice %arg12[%dma_start3A_95, %dma_start3A_96] : memref<10000x64xf32, #tpu.memory_space<vmem_shared>> -> memref<10000x64xf32, #tpu.memory_space<vmem_shared>>
      tpu.enqueue_indirect_dma source(%dma_start3A_97 : memref<10000x64xf32, #tpu.memory_space<vmem_shared>>) target(%arg10 : memref<112x64xf32, #tpu.memory_space<vmem>>) offsets(%dma_start3A_94 : memref<112xi32, #tpu.memory_space<vmem>>) semaphore(%arg16 : memref<!tpu.dma_semaphore, #tpu.memory_space<semaphore_mem>>)
      %mul3A_98 = arith.constant 4 : i32
      %mul3A_99 = arith.muli %scan3A_71, %mul3A_98 : i32
      %add3A_100 = arith.constant 1 : i32
      %add3A_101 = arith.addi %mul3A_99, %add3A_100 : i32
      %dma_wait3A_102 = arith.constant 0 : i32
      %dma_wait3A_103 = tpu.memref_slice %arg6[%add3A_101, %dma_wait3A_102] : memref<92x112xi32, #tpu.memory_space<vmem>> -> memref<1x112xi32, #tpu.memory_space<vmem>>
      %dma_wait3A_104 = tpu.memref_squeeze %dma_wait3A_103 : memref<1x112xi32, #tpu.memory_space<vmem>> -> memref<112xi32, #tpu.memory_space<vmem>>
      %dma_wait3A_105 = arith.constant 0 : i32
      %dma_wait3A_106 = arith.constant 0 : i32
      %dma_wait3A_107 = tpu.memref_slice %arg12[%dma_wait3A_105, %dma_wait3A_106] : memref<10000x64xf32, #tpu.memory_space<vmem_shared>> -> memref<10000x64xf32, #tpu.memory_space<vmem_shared>>
      tpu.wait_indirect_dma semaphore(%arg15 : memref<!tpu.dma_semaphore, #tpu.memory_space<semaphore_mem>>) src(%dma_wait3A_107 : memref<10000x64xf32, #tpu.memory_space<vmem_shared>>) dst(%arg9 : memref<112x64xf32, #tpu.memory_space<vmem>>)
      %dma_start3A_108 = arith.constant 0 : i32
      %dma_start3A_109 = tpu.memref_slice %arg7[%add3A_101, %dma_start3A_108] : memref<92x112xi32, #tpu.memory_space<vmem>> -> memref<1x112xi32, #tpu.memory_space<vmem>>
      %dma_start3A_110 = tpu.memref_squeeze %dma_start3A_109 : memref<1x112xi32, #tpu.memory_space<vmem>> -> memref<112xi32, #tpu.memory_space<vmem>>
      %dma_start3A_111 = arith.constant 0 : i32
      %dma_start3A_112 = arith.constant 0 : i32
      %dma_start3A_113 = tpu.memref_slice %arg13[%dma_start3A_111, %dma_start3A_112] : memref<10240x64xf32, #tpu.memory_space<vmem_shared>> -> memref<10240x64xf32, #tpu.memory_space<vmem_shared>>
      tpu.enqueue_indirect_dma source(%arg9 : memref<112x64xf32, #tpu.memory_space<vmem>>) target(%dma_start3A_113 : memref<10240x64xf32, #tpu.memory_space<vmem_shared>>) offsets(%dma_start3A_110 : memref<112xi32, #tpu.memory_space<vmem>>) semaphore(%arg19 : memref<!tpu.dma_semaphore, #tpu.memory_space<semaphore_mem>>) {add = true}
      %gt3A_114 = arith.constant 0 : i32
      %gt3A_115 = arith.cmpi sgt, %scan3A_71, %gt3A_114 : i32
      %convert_element_type3A_116 = arith.extui %gt3A_115 : i1 to i32
      %cond3A_117 = arith.constant 0 : i32
      %cond3A_118 = arith.cmpi ne, %convert_element_type3A_116, %cond3A_117 : i32
      scf.if %cond3A_118 {
        %dma_wait3A_180 = arith.constant 0 : i32
        %dma_wait3A_181 = tpu.memref_slice %arg7[%add3A_101, %dma_wait3A_180] : memref<92x112xi32, #tpu.memory_space<vmem>> -> memref<1x112xi32, #tpu.memory_space<vmem>>
        %dma_wait3A_182 = tpu.memref_squeeze %dma_wait3A_181 : memref<1x112xi32, #tpu.memory_space<vmem>> -> memref<112xi32, #tpu.memory_space<vmem>>
        %dma_wait3A_183 = arith.constant 0 : i32
        %dma_wait3A_184 = arith.constant 0 : i32
        %dma_wait3A_185 = tpu.memref_slice %arg13[%dma_wait3A_183, %dma_wait3A_184] : memref<10240x64xf32, #tpu.memory_space<vmem_shared>> -> memref<10240x64xf32, #tpu.memory_space<vmem_shared>>
        tpu.wait_indirect_dma semaphore(%arg21 : memref<!tpu.dma_semaphore, #tpu.memory_space<semaphore_mem>>) src(%arg11 : memref<112x64xf32, #tpu.memory_space<vmem>>) dst(%dma_wait3A_185 : memref<10240x64xf32, #tpu.memory_space<vmem_shared>>)
      } else {
      }
      %add3A_119 = arith.constant 2 : i32
      %add3A_120 = arith.addi %add3A_101, %add3A_119 : i32
      %dma_start3A_121 = arith.constant 0 : i32
      %dma_start3A_122 = tpu.memref_slice %arg6[%add3A_120, %dma_start3A_121] : memref<92x112xi32, #tpu.memory_space<vmem>> -> memref<1x112xi32, #tpu.memory_space<vmem>>
      %dma_start3A_123 = tpu.memref_squeeze %dma_start3A_122 : memref<1x112xi32, #tpu.memory_space<vmem>> -> memref<112xi32, #tpu.memory_space<vmem>>
      %dma_start3A_124 = arith.constant 0 : i32
      %dma_start3A_125 = arith.constant 0 : i32
      %dma_start3A_126 = tpu.memref_slice %arg12[%dma_start3A_124, %dma_start3A_125] : memref<10000x64xf32, #tpu.memory_space<vmem_shared>> -> memref<10000x64xf32, #tpu.memory_space<vmem_shared>>
      tpu.enqueue_indirect_dma source(%dma_start3A_126 : memref<10000x64xf32, #tpu.memory_space<vmem_shared>>) target(%arg11 : memref<112x64xf32, #tpu.memory_space<vmem>>) offsets(%dma_start3A_123 : memref<112xi32, #tpu.memory_space<vmem>>) semaphore(%arg17 : memref<!tpu.dma_semaphore, #tpu.memory_space<semaphore_mem>>)
      %mul3A_127 = arith.constant 4 : i32
      %mul3A_128 = arith.muli %scan3A_71, %mul3A_127 : i32
      %add3A_129 = arith.constant 2 : i32
      %add3A_130 = arith.addi %mul3A_128, %add3A_129 : i32
      %dma_wait3A_131 = arith.constant 0 : i32
      %dma_wait3A_132 = tpu.memref_slice %arg6[%add3A_130, %dma_wait3A_131] : memref<92x112xi32, #tpu.memory_space<vmem>> -> memref<1x112xi32, #tpu.memory_space<vmem>>
      %dma_wait3A_133 = tpu.memref_squeeze %dma_wait3A_132 : memref<1x112xi32, #tpu.memory_space<vmem>> -> memref<112xi32, #tpu.memory_space<vmem>>
      %dma_wait3A_134 = arith.constant 0 : i32
      %dma_wait3A_135 = arith.constant 0 : i32
      %dma_wait3A_136 = tpu.memref_slice %arg12[%dma_wait3A_134, %dma_wait3A_135] : memref<10000x64xf32, #tpu.memory_space<vmem_shared>> -> memref<10000x64xf32, #tpu.memory_space<vmem_shared>>
      tpu.wait_indirect_dma semaphore(%arg16 : memref<!tpu.dma_semaphore, #tpu.memory_space<semaphore_mem>>) src(%dma_wait3A_136 : memref<10000x64xf32, #tpu.memory_space<vmem_shared>>) dst(%arg10 : memref<112x64xf32, #tpu.memory_space<vmem>>)
      %dma_start3A_137 = arith.constant 0 : i32
      %dma_start3A_138 = tpu.memref_slice %arg7[%add3A_130, %dma_start3A_137] : memref<92x112xi32, #tpu.memory_space<vmem>> -> memref<1x112xi32, #tpu.memory_space<vmem>>
      %dma_start3A_139 = tpu.memref_squeeze %dma_start3A_138 : memref<1x112xi32, #tpu.memory_space<vmem>> -> memref<112xi32, #tpu.memory_space<vmem>>
      %dma_start3A_140 = arith.constant 0 : i32
      %dma_start3A_141 = arith.constant 0 : i32
      %dma_start3A_142 = tpu.memref_slice %arg13[%dma_start3A_140, %dma_start3A_141] : memref<10240x64xf32, #tpu.memory_space<vmem_shared>> -> memref<10240x64xf32, #tpu.memory_space<vmem_shared>>
      tpu.enqueue_indirect_dma source(%arg10 : memref<112x64xf32, #tpu.memory_space<vmem>>) target(%dma_start3A_142 : memref<10240x64xf32, #tpu.memory_space<vmem_shared>>) offsets(%dma_start3A_139 : memref<112xi32, #tpu.memory_space<vmem>>) semaphore(%arg20 : memref<!tpu.dma_semaphore, #tpu.memory_space<semaphore_mem>>) {add = true}
      %dma_wait3A_143 = arith.constant 0 : i32
      %dma_wait3A_144 = tpu.memref_slice %arg7[%add3A_130, %dma_wait3A_143] : memref<92x112xi32, #tpu.memory_space<vmem>> -> memref<1x112xi32, #tpu.memory_space<vmem>>
      %dma_wait3A_145 = tpu.memref_squeeze %dma_wait3A_144 : memref<1x112xi32, #tpu.memory_space<vmem>> -> memref<112xi32, #tpu.memory_space<vmem>>
      %dma_wait3A_146 = arith.constant 0 : i32
      %dma_wait3A_147 = arith.constant 0 : i32
      %dma_wait3A_148 = tpu.memref_slice %arg13[%dma_wait3A_146, %dma_wait3A_147] : memref<10240x64xf32, #tpu.memory_space<vmem_shared>> -> memref<10240x64xf32, #tpu.memory_space<vmem_shared>>
      tpu.wait_indirect_dma semaphore(%arg18 : memref<!tpu.dma_semaphore, #tpu.memory_space<semaphore_mem>>) src(%arg8 : memref<112x64xf32, #tpu.memory_space<vmem>>) dst(%dma_wait3A_148 : memref<10240x64xf32, #tpu.memory_space<vmem_shared>>)
      %lt3A = arith.constant 22 : i32
      %lt3A_149 = arith.cmpi slt, %scan3A_71, %lt3A : i32
      %convert_element_type3A_150 = arith.extui %lt3A_149 : i1 to i32
      %cond3A_151 = arith.constant 0 : i32
      %cond3A_152 = arith.cmpi ne, %convert_element_type3A_150, %cond3A_151 : i32
      scf.if %cond3A_152 {
        %add3A_180 = arith.constant 2 : i32
        %add3A_181 = arith.addi %add3A_130, %add3A_180 : i32
        %dma_start3A_182 = arith.constant 0 : i32
        %dma_start3A_183 = tpu.memref_slice %arg6[%add3A_181, %dma_start3A_182] : memref<92x112xi32, #tpu.memory_space<vmem>> -> memref<1x112xi32, #tpu.memory_space<vmem>>
        %dma_start3A_184 = tpu.memref_squeeze %dma_start3A_183 : memref<1x112xi32, #tpu.memory_space<vmem>> -> memref<112xi32, #tpu.memory_space<vmem>>
        %dma_start3A_185 = arith.constant 0 : i32
        %dma_start3A_186 = arith.constant 0 : i32
        %dma_start3A_187 = tpu.memref_slice %arg12[%dma_start3A_185, %dma_start3A_186] : memref<10000x64xf32, #tpu.memory_space<vmem_shared>> -> memref<10000x64xf32, #tpu.memory_space<vmem_shared>>
        tpu.enqueue_indirect_dma source(%dma_start3A_187 : memref<10000x64xf32, #tpu.memory_space<vmem_shared>>) target(%arg8 : memref<112x64xf32, #tpu.memory_space<vmem>>) offsets(%dma_start3A_184 : memref<112xi32, #tpu.memory_space<vmem>>) semaphore(%arg14 : memref<!tpu.dma_semaphore, #tpu.memory_space<semaphore_mem>>)
      } else {
      }
      %mul3A_153 = arith.constant 4 : i32
      %mul3A_154 = arith.muli %scan3A_71, %mul3A_153 : i32
      %add3A_155 = arith.constant 3 : i32
      %add3A_156 = arith.addi %mul3A_154, %add3A_155 : i32
      %dma_wait3A_157 = arith.constant 0 : i32
      %dma_wait3A_158 = tpu.memref_slice %arg6[%add3A_156, %dma_wait3A_157] : memref<92x112xi32, #tpu.memory_space<vmem>> -> memref<1x112xi32, #tpu.memory_space<vmem>>
      %dma_wait3A_159 = tpu.memref_squeeze %dma_wait3A_158 : memref<1x112xi32, #tpu.memory_space<vmem>> -> memref<112xi32, #tpu.memory_space<vmem>>
      %dma_wait3A_160 = arith.constant 0 : i32
      %dma_wait3A_161 = arith.constant 0 : i32
      %dma_wait3A_162 = tpu.memref_slice %arg12[%dma_wait3A_160, %dma_wait3A_161] : memref<10000x64xf32, #tpu.memory_space<vmem_shared>> -> memref<10000x64xf32, #tpu.memory_space<vmem_shared>>
      tpu.wait_indirect_dma semaphore(%arg17 : memref<!tpu.dma_semaphore, #tpu.memory_space<semaphore_mem>>) src(%dma_wait3A_162 : memref<10000x64xf32, #tpu.memory_space<vmem_shared>>) dst(%arg11 : memref<112x64xf32, #tpu.memory_space<vmem>>)
      %dma_start3A_163 = arith.constant 0 : i32
      %dma_start3A_164 = tpu.memref_slice %arg7[%add3A_156, %dma_start3A_163] : memref<92x112xi32, #tpu.memory_space<vmem>> -> memref<1x112xi32, #tpu.memory_space<vmem>>
      %dma_start3A_165 = tpu.memref_squeeze %dma_start3A_164 : memref<1x112xi32, #tpu.memory_space<vmem>> -> memref<112xi32, #tpu.memory_space<vmem>>
      %dma_start3A_166 = arith.constant 0 : i32
      %dma_start3A_167 = arith.constant 0 : i32
      %dma_start3A_168 = tpu.memref_slice %arg13[%dma_start3A_166, %dma_start3A_167] : memref<10240x64xf32, #tpu.memory_space<vmem_shared>> -> memref<10240x64xf32, #tpu.memory_space<vmem_shared>>
      tpu.enqueue_indirect_dma source(%arg11 : memref<112x64xf32, #tpu.memory_space<vmem>>) target(%dma_start3A_168 : memref<10240x64xf32, #tpu.memory_space<vmem_shared>>) offsets(%dma_start3A_165 : memref<112xi32, #tpu.memory_space<vmem>>) semaphore(%arg21 : memref<!tpu.dma_semaphore, #tpu.memory_space<semaphore_mem>>) {add = true}
      %dma_wait3A_169 = arith.constant 0 : i32
      %dma_wait3A_170 = tpu.memref_slice %arg7[%add3A_156, %dma_wait3A_169] : memref<92x112xi32, #tpu.memory_space<vmem>> -> memref<1x112xi32, #tpu.memory_space<vmem>>
      %dma_wait3A_171 = tpu.memref_squeeze %dma_wait3A_170 : memref<1x112xi32, #tpu.memory_space<vmem>> -> memref<112xi32, #tpu.memory_space<vmem>>
      %dma_wait3A_172 = arith.constant 0 : i32
      %dma_wait3A_173 = arith.constant 0 : i32
      %dma_wait3A_174 = tpu.memref_slice %arg13[%dma_wait3A_172, %dma_wait3A_173] : memref<10240x64xf32, #tpu.memory_space<vmem_shared>> -> memref<10240x64xf32, #tpu.memory_space<vmem_shared>>
      tpu.wait_indirect_dma semaphore(%arg19 : memref<!tpu.dma_semaphore, #tpu.memory_space<semaphore_mem>>) src(%arg9 : memref<112x64xf32, #tpu.memory_space<vmem>>) dst(%dma_wait3A_174 : memref<10240x64xf32, #tpu.memory_space<vmem_shared>>)
      %lt3A_175 = arith.constant 22 : i32
      %lt3A_176 = arith.cmpi slt, %scan3A_71, %lt3A_175 : i32
      %convert_element_type3A_177 = arith.extui %lt3A_176 : i1 to i32
      %cond3A_178 = arith.constant 0 : i32
      %cond3A_179 = arith.cmpi ne, %convert_element_type3A_177, %cond3A_178 : i32
      scf.if %cond3A_179 {
        %add3A_180 = arith.constant 2 : i32
        %add3A_181 = arith.addi %add3A_156, %add3A_180 : i32
        %dma_start3A_182 = arith.constant 0 : i32
        %dma_start3A_183 = tpu.memref_slice %arg6[%add3A_181, %dma_start3A_182] : memref<92x112xi32, #tpu.memory_space<vmem>> -> memref<1x112xi32, #tpu.memory_space<vmem>>
        %dma_start3A_184 = tpu.memref_squeeze %dma_start3A_183 : memref<1x112xi32, #tpu.memory_space<vmem>> -> memref<112xi32, #tpu.memory_space<vmem>>
        %dma_start3A_185 = arith.constant 0 : i32
        %dma_start3A_186 = arith.constant 0 : i32
        %dma_start3A_187 = tpu.memref_slice %arg12[%dma_start3A_185, %dma_start3A_186] : memref<10000x64xf32, #tpu.memory_space<vmem_shared>> -> memref<10000x64xf32, #tpu.memory_space<vmem_shared>>
        tpu.enqueue_indirect_dma source(%dma_start3A_187 : memref<10000x64xf32, #tpu.memory_space<vmem_shared>>) target(%arg9 : memref<112x64xf32, #tpu.memory_space<vmem>>) offsets(%dma_start3A_184 : memref<112xi32, #tpu.memory_space<vmem>>) semaphore(%arg15 : memref<!tpu.dma_semaphore, #tpu.memory_space<semaphore_mem>>)
      } else {
      }
    }
    %scan3A_51 = arith.constant 23 : i32
    %dma_wait3A = arith.constant 0 : i32
    %dma_wait3A_52 = arith.constant 0 : i32
    %dma_wait3A_53 = tpu.memref_slice %arg7[%dma_wait3A, %dma_wait3A_52] : memref<92x112xi32, #tpu.memory_space<vmem>> -> memref<1x112xi32, #tpu.memory_space<vmem>>
    %dma_wait3A_54 = tpu.memref_squeeze %dma_wait3A_53 : memref<1x112xi32, #tpu.memory_space<vmem>> -> memref<112xi32, #tpu.memory_space<vmem>>
    %dma_wait3A_55 = arith.constant 0 : i32
    %dma_wait3A_56 = arith.constant 0 : i32
    %dma_wait3A_57 = tpu.memref_slice %arg13[%dma_wait3A_55, %dma_wait3A_56] : memref<10240x64xf32, #tpu.memory_space<vmem_shared>> -> memref<10240x64xf32, #tpu.memory_space<vmem_shared>>
    tpu.wait_indirect_dma semaphore(%arg20 : memref<!tpu.dma_semaphore, #tpu.memory_space<semaphore_mem>>) src(%arg10 : memref<112x64xf32, #tpu.memory_space<vmem>>) dst(%dma_wait3A_57 : memref<10240x64xf32, #tpu.memory_space<vmem_shared>>)
    %dma_wait3A_58 = arith.constant 0 : i32
    %dma_wait3A_59 = arith.constant 0 : i32
    %dma_wait3A_60 = tpu.memref_slice %arg7[%dma_wait3A_58, %dma_wait3A_59] : memref<92x112xi32, #tpu.memory_space<vmem>> -> memref<1x112xi32, #tpu.memory_space<vmem>>
    %dma_wait3A_61 = tpu.memref_squeeze %dma_wait3A_60 : memref<1x112xi32, #tpu.memory_space<vmem>> -> memref<112xi32, #tpu.memory_space<vmem>>
    %dma_wait3A_62 = arith.constant 0 : i32
    %dma_wait3A_63 = arith.constant 0 : i32
    %dma_wait3A_64 = tpu.memref_slice %arg13[%dma_wait3A_62, %dma_wait3A_63] : memref<10240x64xf32, #tpu.memory_space<vmem_shared>> -> memref<10240x64xf32, #tpu.memory_space<vmem_shared>>
    tpu.wait_indirect_dma semaphore(%arg21 : memref<!tpu.dma_semaphore, #tpu.memory_space<semaphore_mem>>) src(%arg11 : memref<112x64xf32, #tpu.memory_space<vmem>>) dst(%dma_wait3A_64 : memref<10240x64xf32, #tpu.memory_space<vmem_shared>>)
    %scan3A_65 = arith.constant 1 : i32
    %barrier3A_66 = arith.constant 0 : index
    tpu.barrier barrier_id(%barrier3A_66)
    %mul3A_67 = arith.constant 640 : i32
    %mul3A_68 = arith.muli %arg1, %mul3A_67 : i32
    %mul3A_69 = arith.constant 640 : i32
    %mul3A_70 = arith.muli %arg1, %mul3A_69 : i32
    "tpu.region"() ({
      %run_scoped3A = tpu.sem_alloc : memref<!tpu.dma_semaphore, #tpu.memory_space<semaphore_mem>>
      %dma_start3A_71 = arith.constant 0 : i32
      %dma_start3A_72 = tpu.memref_slice %arg5[%arg0, %mul3A_70, %dma_start3A_71] : memref<2x10240x64xf32, #tpu.memory_space<hbm>> -> memref<1x640x64xf32, #tpu.memory_space<hbm>>
      %dma_start3A_73 = tpu.memref_squeeze %dma_start3A_72 : memref<1x640x64xf32, #tpu.memory_space<hbm>> -> memref<640x64xf32, #tpu.memory_space<hbm>>
      %dma_start3A_74 = arith.constant 0 : i32
      %dma_start3A_75 = tpu.memref_slice %arg13[%mul3A_68, %dma_start3A_74] : memref<10240x64xf32, #tpu.memory_space<vmem_shared>> -> memref<640x64xf32, #tpu.memory_space<vmem_shared>>
      tpu.enqueue_dma source(%dma_start3A_75 : memref<640x64xf32, #tpu.memory_space<vmem_shared>>) target(%dma_start3A_73 : memref<640x64xf32, #tpu.memory_space<hbm>>) target_semaphore(%run_scoped3A : memref<!tpu.dma_semaphore, #tpu.memory_space<semaphore_mem>>)
      %dma_wait3A_76 = arith.constant 0 : i32
      %dma_wait3A_77 = tpu.memref_slice %arg5[%arg0, %mul3A_70, %dma_wait3A_76] : memref<2x10240x64xf32, #tpu.memory_space<hbm>> -> memref<1x640x64xf32, #tpu.memory_space<hbm>>
      %dma_wait3A_78 = tpu.memref_squeeze %dma_wait3A_77 : memref<1x640x64xf32, #tpu.memory_space<hbm>> -> memref<640x64xf32, #tpu.memory_space<hbm>>
      %dma_wait3A_79 = arith.constant 0 : i32
      %dma_wait3A_80 = tpu.memref_slice %arg13[%mul3A_68, %dma_wait3A_79] : memref<10240x64xf32, #tpu.memory_space<vmem_shared>> -> memref<640x64xf32, #tpu.memory_space<vmem_shared>>
      tpu.wait_dma2 semaphore(%run_scoped3A : memref<!tpu.dma_semaphore, #tpu.memory_space<semaphore_mem>>) src(%dma_wait3A_80 : memref<640x64xf32, #tpu.memory_space<vmem_shared>>) dst(%dma_wait3A_78 : memref<640x64xf32, #tpu.memory_space<hbm>>)
      tpu.yield
    }) : () -> ()
    return
  }
}

module attributes {stable_mosaic.version = 14 : i64} {
  func.func @body(%arg0: i32, %arg1: memref<2000x128xf32, #tpu.memory_space<vmem>>, %arg2: memref<2x2000x64xf32, #tpu.memory_space<vmem>>, %arg3: memref<2000x16xf32, #tpu.memory_space<vmem>>, %arg4: memref<128x128xf32, #tpu.memory_space<vmem>>, %arg5: memref<1x128xf32, #tpu.memory_space<vmem>>, %arg6: memref<128x128xf32, #tpu.memory_space<vmem>>, %arg7: memref<128x256xf32, #tpu.memory_space<vmem>>, %arg8: memref<1x128xf32, #tpu.memory_space<vmem>>, %arg9: memref<40x128xf32, #tpu.memory_space<vmem>>, %arg10: memref<40x128xf32, #tpu.memory_space<vmem>>, %arg11: memref<1x40xf32, #tpu.memory_space<vmem>>, %arg12: memref<2000x64xf32, #tpu.memory_space<vmem>>, %arg13: memref<2000x128xf32, #tpu.memory_space<vmem>>) attributes {dimension_semantics = [#tpu.dimension_semantics<arbitrary>], iteration_bounds = array<i64: 5>, scalar_prefetch = 0 : i64, scratch_operands = 0 : i64, tpu.core_type = #tpu.core_type<tc>, window_params = [{transform_indices = @transform_0, window_bounds = array<i64: 2000, 128>}, {transform_indices = @transform_1, window_bounds = array<i64: 2, 2000, 64>}, {transform_indices = @transform_2, window_bounds = array<i64: 2000, 16>}, {pipeline_mode = #tpu.pipeline_mode<synchronous>, transform_indices = @transform_3, window_bounds = array<i64: 128, 128>}, {pipeline_mode = #tpu.pipeline_mode<synchronous>, transform_indices = @transform_4, window_bounds = array<i64: 1, 128>}, {pipeline_mode = #tpu.pipeline_mode<synchronous>, transform_indices = @transform_5, window_bounds = array<i64: 128, 128>}, {pipeline_mode = #tpu.pipeline_mode<synchronous>, transform_indices = @transform_6, window_bounds = array<i64: 128, 256>}, {pipeline_mode = #tpu.pipeline_mode<synchronous>, transform_indices = @transform_7, window_bounds = array<i64: 1, 128>}, {pipeline_mode = #tpu.pipeline_mode<synchronous>, transform_indices = @transform_8, window_bounds = array<i64: 40, 128>}, {pipeline_mode = #tpu.pipeline_mode<synchronous>, transform_indices = @transform_9, window_bounds = array<i64: 40, 128>}, {pipeline_mode = #tpu.pipeline_mode<synchronous>, transform_indices = @transform_10, window_bounds = array<i64: 1, 40>}, {transform_indices = @transform_11, window_bounds = array<i64: 2000, 64>}, {transform_indices = @transform_12, window_bounds = array<i64: 2000, 128>}]} {
    %get3A = arith.constant 0 : index
    %get3A_0 = arith.constant 0 : index
    %get3A_1 = arith.constant 0 : index
    %get3A_2 = vector.load %arg2[%get3A, %get3A_0, %get3A_1] : memref<2x2000x64xf32, #tpu.memory_space<vmem>>, vector<1x2000x64xf32>
    %get3A_3 = vector.shape_cast %get3A_2 : vector<1x2000x64xf32> to vector<2000x64xf32>
    %get3A_4 = arith.constant 1 : index
    %get3A_5 = arith.constant 0 : index
    %get3A_6 = arith.constant 0 : index
    %get3A_7 = vector.load %arg2[%get3A_4, %get3A_5, %get3A_6] : memref<2x2000x64xf32, #tpu.memory_space<vmem>>, vector<1x2000x64xf32>
    %get3A_8 = vector.shape_cast %get3A_7 : vector<1x2000x64xf32> to vector<2000x64xf32>
    %concatenate3A = tpu.concatenate %get3A_3, %get3A_8 in 1 : vector<2000x64xf32>, vector<2000x64xf32> -> vector<2000x128xf32>
    %get3A_9 = arith.constant 0 : index
    %get3A_10 = arith.constant 0 : index
    %get3A_11 = vector.load %arg3[%get3A_9, %get3A_10] : memref<2000x16xf32, #tpu.memory_space<vmem>>, vector<2000x16xf32>
    %reduce_sum3A = arith.constant dense<0.000000e+00> : vector<2000xf32>
    %reduce_sum3A_12 = vector.multi_reduction <add>, %get3A_11, %reduce_sum3A [1] : vector<2000x16xf32> to vector<2000xf32>
    %broadcast_in_dim3A = vector.shape_cast %reduce_sum3A_12 : vector<2000xf32> to vector<2000x1xf32>
    %max3A = arith.constant 1.000000e+00 : f32
    %max3A_13 = vector.broadcast %max3A : f32 to vector<2000x1xf32>
    %max3A_14 = arith.maximumf %broadcast_in_dim3A, %max3A_13 : vector<2000x1xf32>
    %div3A = vector.broadcast %max3A_14 : vector<2000x1xf32> to vector<2000x128xf32>
    %div3A_15 = arith.divf %concatenate3A, %div3A : vector<2000x128xf32>
    %get3A_16 = arith.constant 0 : index
    %get3A_17 = arith.constant 0 : index
    %get3A_18 = vector.load %arg1[%get3A_16, %get3A_17] : memref<2000x128xf32, #tpu.memory_space<vmem>>, vector<2000x128xf32>
    %get3A_19 = arith.constant 0 : index
    %get3A_20 = arith.constant 0 : index
    %get3A_21 = vector.load %arg4[%get3A_19, %get3A_20] : memref<128x128xf32, #tpu.memory_space<vmem>>, vector<128x128xf32>
    %dot_general3A = arith.constant dense<0.000000e+00> : vector<2000x128xf32>
    %dot_general3A_22 = tpu.matmul %div3A_15, %get3A_21, %dot_general3A {dimension_numbers = #tpu.dot_dimension_numbers<[1], [1], [0], [0], [0, 0, 1, 0], [], []>, transpose_lhs_hint = false} : vector<2000x128xf32>, vector<128x128xf32>, vector<2000x128xf32> -> vector<2000x128xf32>
    %get3A_23 = arith.constant 0 : index
    %get3A_24 = arith.constant 0 : index
    %get3A_25 = vector.load %arg5[%get3A_23, %get3A_24] : memref<1x128xf32, #tpu.memory_space<vmem>>, vector<1x128xf32>
    %add3A = vector.broadcast %get3A_25 : vector<1x128xf32> to vector<2000x128xf32>
    %add3A_26 = arith.addf %dot_general3A_22, %add3A : vector<2000x128xf32>
    %get3A_27 = arith.constant 0 : index
    %get3A_28 = arith.constant 0 : index
    %get3A_29 = vector.load %arg6[%get3A_27, %get3A_28] : memref<128x128xf32, #tpu.memory_space<vmem>>, vector<128x128xf32>
    %dot_general3A_30 = arith.constant dense<0.000000e+00> : vector<2000x128xf32>
    %dot_general3A_31 = tpu.matmul %get3A_18, %get3A_29, %dot_general3A_30 {dimension_numbers = #tpu.dot_dimension_numbers<[1], [1], [0], [0], [0, 0, 1, 0], [], []>, transpose_lhs_hint = false} : vector<2000x128xf32>, vector<128x128xf32>, vector<2000x128xf32> -> vector<2000x128xf32>
    %add3A_32 = arith.addf %add3A_26, %dot_general3A_31 : vector<2000x128xf32>
    %mul3A = arith.mulf %add3A_32, %add3A_32 : vector<2000x128xf32>
    %reduce_sum3A_33 = arith.constant dense<0.000000e+00> : vector<2000xf32>
    %reduce_sum3A_34 = vector.multi_reduction <add>, %mul3A, %reduce_sum3A_33 [1] : vector<2000x128xf32> to vector<2000xf32>
    %broadcast_in_dim3A_35 = vector.shape_cast %reduce_sum3A_34 : vector<2000xf32> to vector<2000x1xf32>
    %sqrt3A = math.sqrt %broadcast_in_dim3A_35 : vector<2000x1xf32>
    %max3A_36 = arith.constant 9.99999996E-13 : f32
    %max3A_37 = vector.broadcast %max3A_36 : f32 to vector<2000x1xf32>
    %max3A_38 = arith.maximumf %sqrt3A, %max3A_37 : vector<2000x1xf32>
    %div3A_39 = vector.broadcast %max3A_38 : vector<2000x1xf32> to vector<2000x128xf32>
    %div3A_40 = arith.divf %add3A_32, %div3A_39 : vector<2000x128xf32>
    %max3A_41 = arith.constant 0.000000e+00 : f32
    %max3A_42 = vector.broadcast %max3A_41 : f32 to vector<2000x128xf32>
    %max3A_43 = arith.maximumf %div3A_40, %max3A_42 : vector<2000x128xf32>
    %get3A_44 = arith.constant 0 : index
    %get3A_45 = arith.constant 0 : index
    %get3A_46 = vector.load %arg7[%get3A_44, %get3A_45] : memref<128x256xf32, #tpu.memory_space<vmem>>, vector<128x256xf32>
    %slice3A = vector.extract_strided_slice %get3A_46 {offsets = [0, 0], sizes = [128, 128], strides = [1, 1]} : vector<128x256xf32> to vector<128x128xf32>
    %dot_general3A_47 = arith.constant dense<0.000000e+00> : vector<2000x128xf32>
    %dot_general3A_48 = tpu.matmul %get3A_18, %slice3A, %dot_general3A_47 {dimension_numbers = #tpu.dot_dimension_numbers<[1], [1], [0], [0], [0, 0, 1, 0], [], []>, transpose_lhs_hint = false} : vector<2000x128xf32>, vector<128x128xf32>, vector<2000x128xf32> -> vector<2000x128xf32>
    %slice3A_49 = vector.extract_strided_slice %get3A_46 {offsets = [0, 128], sizes = [128, 128], strides = [1, 1]} : vector<128x256xf32> to vector<128x128xf32>
    %dot_general3A_50 = arith.constant dense<0.000000e+00> : vector<2000x128xf32>
    %dot_general3A_51 = tpu.matmul %max3A_43, %slice3A_49, %dot_general3A_50 {dimension_numbers = #tpu.dot_dimension_numbers<[1], [1], [0], [0], [0, 0, 1, 0], [], []>, transpose_lhs_hint = false} : vector<2000x128xf32>, vector<128x128xf32>, vector<2000x128xf32> -> vector<2000x128xf32>
    %add3A_52 = arith.addf %dot_general3A_48, %dot_general3A_51 : vector<2000x128xf32>
    %get3A_53 = arith.constant 0 : index
    %get3A_54 = arith.constant 0 : index
    %get3A_55 = vector.load %arg8[%get3A_53, %get3A_54] : memref<1x128xf32, #tpu.memory_space<vmem>>, vector<1x128xf32>
    %add3A_56 = vector.broadcast %get3A_55 : vector<1x128xf32> to vector<2000x128xf32>
    %add3A_57 = arith.addf %add3A_52, %add3A_56 : vector<2000x128xf32>
    %max3A_58 = arith.constant 0.000000e+00 : f32
    %max3A_59 = vector.broadcast %max3A_58 : f32 to vector<2000x128xf32>
    %max3A_60 = arith.maximumf %add3A_57, %max3A_59 : vector<2000x128xf32>
    %get3A_61 = arith.constant 0 : index
    %get3A_62 = arith.constant 0 : index
    %get3A_63 = vector.load %arg9[%get3A_61, %get3A_62] : memref<40x128xf32, #tpu.memory_space<vmem>>, vector<40x128xf32>
    %dot_general3A_64 = arith.constant dense<0.000000e+00> : vector<2000x40xf32>
    %dot_general3A_65 = tpu.matmul %max3A_60, %get3A_63, %dot_general3A_64 {dimension_numbers = #tpu.dot_dimension_numbers<[1], [1], [0], [0], [0, 0, 1, 0], [], []>, transpose_lhs_hint = false} : vector<2000x128xf32>, vector<40x128xf32>, vector<2000x40xf32> -> vector<2000x40xf32>
    %broadcast_in_dim3A_66 = arith.constant 0.000000e+00 : f32
    %broadcast_in_dim3A_67 = vector.broadcast %broadcast_in_dim3A_66 : f32 to vector<2000x24xf32>
    %concatenate3A_68 = tpu.concatenate %dot_general3A_65, %broadcast_in_dim3A_67 in 1 : vector<2000x40xf32>, vector<2000x24xf32> -> vector<2000x64xf32>
    %swap3A = arith.constant 0 : index
    %swap3A_69 = arith.constant 0 : index
    %swap3A_70 = vector.load %arg12[%swap3A, %swap3A_69] : memref<2000x64xf32, #tpu.memory_space<vmem>>, vector<2000x64xf32>
    tpu.vector_store %arg12[%swap3A, %swap3A_69], %concatenate3A_68 {strides = array<i32>} : memref<2000x64xf32, #tpu.memory_space<vmem>>, vector<2000x64xf32>,
    %get3A_71 = arith.constant 0 : index
    %get3A_72 = arith.constant 0 : index
    %get3A_73 = vector.load %arg10[%get3A_71, %get3A_72] : memref<40x128xf32, #tpu.memory_space<vmem>>, vector<40x128xf32>
    %dot_general3A_74 = arith.constant dense<0.000000e+00> : vector<2000x40xf32>
    %dot_general3A_75 = tpu.matmul %max3A_60, %get3A_73, %dot_general3A_74 {dimension_numbers = #tpu.dot_dimension_numbers<[1], [1], [0], [0], [0, 0, 1, 0], [], []>, transpose_lhs_hint = false} : vector<2000x128xf32>, vector<40x128xf32>, vector<2000x40xf32> -> vector<2000x40xf32>
    %get3A_76 = arith.constant 0 : index
    %get3A_77 = arith.constant 0 : index
    %get3A_78 = vector.load %arg11[%get3A_76, %get3A_77] : memref<1x40xf32, #tpu.memory_space<vmem>>, vector<1x40xf32>
    %add3A_79 = vector.broadcast %get3A_78 : vector<1x40xf32> to vector<2000x40xf32>
    %add3A_80 = arith.addf %dot_general3A_75, %add3A_79 : vector<2000x40xf32>
    %broadcast_in_dim3A_81 = arith.constant 0.000000e+00 : f32
    %broadcast_in_dim3A_82 = vector.broadcast %broadcast_in_dim3A_81 : f32 to vector<2000x87xf32>
    %concatenate3A_83 = tpu.concatenate %add3A_80, %max3A_14, %broadcast_in_dim3A_82 in 1 : vector<2000x40xf32>, vector<2000x1xf32>, vector<2000x87xf32> -> vector<2000x128xf32>
    %swap3A_84 = arith.constant 0 : index
    %swap3A_85 = arith.constant 0 : index
    %swap3A_86 = vector.load %arg13[%swap3A_84, %swap3A_85] : memref<2000x128xf32, #tpu.memory_space<vmem>>, vector<2000x128xf32>
    tpu.vector_store %arg13[%swap3A_84, %swap3A_85], %concatenate3A_83 {strides = array<i32>} : memref<2000x128xf32, #tpu.memory_space<vmem>>, vector<2000x128xf32>,
    return
  }
  func.func @transform_0(%arg0: i32) -> (i32, i32) {
    %c0_i32 = arith.constant 0 : i32
    %c0_i32_0 = arith.constant 0 : i32
    return %arg0, %c0_i32 : i32, i32
  }
  func.func @transform_1(%arg0: i32) -> (i32, i32, i32) {
    %c0_i32 = arith.constant 0 : i32
    %c0_i32_0 = arith.constant 0 : i32
    %c0_i32_1 = arith.constant 0 : i32
    return %c0_i32, %arg0, %c0_i32_0 : i32, i32, i32
  }
  func.func @transform_2(%arg0: i32) -> (i32, i32) {
    %c0_i32 = arith.constant 0 : i32
    %c0_i32_0 = arith.constant 0 : i32
    return %arg0, %c0_i32 : i32, i32
  }
  func.func @transform_3(%arg0: i32) -> (i32, i32) {
    %c0_i32 = arith.constant 0 : i32
    %c0_i32_0 = arith.constant 0 : i32
    %c0_i32_1 = arith.constant 0 : i32
    return %c0_i32, %c0_i32_0 : i32, i32
  }
  func.func @transform_4(%arg0: i32) -> (i32, i32) {
    %c0_i32 = arith.constant 0 : i32
    %c0_i32_0 = arith.constant 0 : i32
    %c0_i32_1 = arith.constant 0 : i32
    return %c0_i32, %c0_i32_0 : i32, i32
  }
  func.func @transform_5(%arg0: i32) -> (i32, i32) {
    %c0_i32 = arith.constant 0 : i32
    %c0_i32_0 = arith.constant 0 : i32
    %c0_i32_1 = arith.constant 0 : i32
    return %c0_i32, %c0_i32_0 : i32, i32
  }
  func.func @transform_6(%arg0: i32) -> (i32, i32) {
    %c0_i32 = arith.constant 0 : i32
    %c0_i32_0 = arith.constant 0 : i32
    %c0_i32_1 = arith.constant 0 : i32
    return %c0_i32, %c0_i32_0 : i32, i32
  }
  func.func @transform_7(%arg0: i32) -> (i32, i32) {
    %c0_i32 = arith.constant 0 : i32
    %c0_i32_0 = arith.constant 0 : i32
    %c0_i32_1 = arith.constant 0 : i32
    return %c0_i32, %c0_i32_0 : i32, i32
  }
  func.func @transform_8(%arg0: i32) -> (i32, i32) {
    %c0_i32 = arith.constant 0 : i32
    %c0_i32_0 = arith.constant 0 : i32
    %c0_i32_1 = arith.constant 0 : i32
    return %c0_i32, %c0_i32_0 : i32, i32
  }
  func.func @transform_9(%arg0: i32) -> (i32, i32) {
    %c0_i32 = arith.constant 0 : i32
    %c0_i32_0 = arith.constant 0 : i32
    %c0_i32_1 = arith.constant 0 : i32
    return %c0_i32, %c0_i32_0 : i32, i32
  }
  func.func @transform_10(%arg0: i32) -> (i32, i32) {
    %c0_i32 = arith.constant 0 : i32
    %c0_i32_0 = arith.constant 0 : i32
    %c0_i32_1 = arith.constant 0 : i32
    return %c0_i32, %c0_i32_0 : i32, i32
  }
  func.func @transform_11(%arg0: i32) -> (i32, i32) {
    %c0_i32 = arith.constant 0 : i32
    %c0_i32_0 = arith.constant 0 : i32
    return %arg0, %c0_i32 : i32, i32
  }
  func.func @transform_12(%arg0: i32) -> (i32, i32) {
    %c0_i32 = arith.constant 0 : i32
    %c0_i32_0 = arith.constant 0 : i32
    return %arg0, %c0_i32 : i32, i32
  }
}

module attributes {stable_mosaic.version = 14 : i64} {
  func.func @body(%arg0: i32, %arg1: memref<2x2000x64xf32, #tpu.memory_space<vmem>>, %arg2: memref<2000x128xf32, #tpu.memory_space<vmem>>, %arg3: memref<2000x40xf32, #tpu.memory_space<vmem>>) attributes {dimension_semantics = [#tpu.dimension_semantics<arbitrary>], iteration_bounds = array<i64: 5>, scalar_prefetch = 0 : i64, scratch_operands = 0 : i64, tpu.core_type = #tpu.core_type<tc>, window_params = [{transform_indices = @transform_0, window_bounds = array<i64: 2, 2000, 64>}, {transform_indices = @transform_1, window_bounds = array<i64: 2000, 128>}, {transform_indices = @transform_2, window_bounds = array<i64: 2000, 40>}]} {
    %get3A = arith.constant 0 : index
    %get3A_0 = arith.constant 0 : index
    %get3A_1 = arith.constant 0 : index
    %get3A_2 = vector.load %arg1[%get3A, %get3A_0, %get3A_1] : memref<2x2000x64xf32, #tpu.memory_space<vmem>>, vector<1x2000x64xf32>
    %get3A_3 = vector.shape_cast %get3A_2 : vector<1x2000x64xf32> to vector<2000x64xf32>
    %get3A_4 = arith.constant 1 : index
    %get3A_5 = arith.constant 0 : index
    %get3A_6 = arith.constant 0 : index
    %get3A_7 = vector.load %arg1[%get3A_4, %get3A_5, %get3A_6] : memref<2x2000x64xf32, #tpu.memory_space<vmem>>, vector<1x2000x64xf32>
    %get3A_8 = vector.shape_cast %get3A_7 : vector<1x2000x64xf32> to vector<2000x64xf32>
    %add3A = arith.addf %get3A_3, %get3A_8 : vector<2000x64xf32>
    %slice3A = vector.extract_strided_slice %add3A {offsets = [0, 0], sizes = [2000, 40], strides = [1, 1]} : vector<2000x64xf32> to vector<2000x40xf32>
    %get3A_9 = arith.constant 0 : index
    %get3A_10 = arith.constant 0 : index
    %get3A_11 = vector.load %arg2[%get3A_9, %get3A_10] : memref<2000x128xf32, #tpu.memory_space<vmem>>, vector<2000x128xf32>
    %slice3A_12 = vector.extract_strided_slice %get3A_11 {offsets = [0, 0], sizes = [2000, 40], strides = [1, 1]} : vector<2000x128xf32> to vector<2000x40xf32>
    %slice3A_13 = vector.extract_strided_slice %get3A_11 {offsets = [0, 40], sizes = [2000, 1], strides = [1, 1]} : vector<2000x128xf32> to vector<2000x1xf32>
    %div3A = vector.broadcast %slice3A_13 : vector<2000x1xf32> to vector<2000x40xf32>
    %div3A_14 = arith.divf %slice3A, %div3A : vector<2000x40xf32>
    %add3A_15 = arith.addf %div3A_14, %slice3A_12 : vector<2000x40xf32>
    %mul3A = arith.mulf %add3A_15, %add3A_15 : vector<2000x40xf32>
    %reduce_sum3A = arith.constant dense<0.000000e+00> : vector<2000xf32>
    %reduce_sum3A_16 = vector.multi_reduction <add>, %mul3A, %reduce_sum3A [1] : vector<2000x40xf32> to vector<2000xf32>
    %broadcast_in_dim3A = vector.shape_cast %reduce_sum3A_16 : vector<2000xf32> to vector<2000x1xf32>
    %sqrt3A = math.sqrt %broadcast_in_dim3A : vector<2000x1xf32>
    %max3A = arith.constant 9.99999996E-13 : f32
    %max3A_17 = vector.broadcast %max3A : f32 to vector<2000x1xf32>
    %max3A_18 = arith.maximumf %sqrt3A, %max3A_17 : vector<2000x1xf32>
    %div3A_19 = vector.broadcast %max3A_18 : vector<2000x1xf32> to vector<2000x40xf32>
    %div3A_20 = arith.divf %add3A_15, %div3A_19 : vector<2000x40xf32>
    %swap3A = arith.constant 0 : index
    %swap3A_21 = arith.constant 0 : index
    %swap3A_22 = vector.load %arg3[%swap3A, %swap3A_21] : memref<2000x40xf32, #tpu.memory_space<vmem>>, vector<2000x40xf32>
    tpu.vector_store %arg3[%swap3A, %swap3A_21], %div3A_20 {strides = array<i32>} : memref<2000x40xf32, #tpu.memory_space<vmem>>, vector<2000x40xf32>,
    return
  }
  func.func @transform_0(%arg0: i32) -> (i32, i32, i32) {
    %c0_i32 = arith.constant 0 : i32
    %c0_i32_0 = arith.constant 0 : i32
    %c0_i32_1 = arith.constant 0 : i32
    return %c0_i32, %arg0, %c0_i32_0 : i32, i32, i32
  }
  func.func @transform_1(%arg0: i32) -> (i32, i32) {
    %c0_i32 = arith.constant 0 : i32
    %c0_i32_0 = arith.constant 0 : i32
    return %arg0, %c0_i32 : i32, i32
  }
  func.func @transform_2(%arg0: i32) -> (i32, i32) {
    %c0_i32 = arith.constant 0 : i32
    %c0_i32_0 = arith.constant 0 : i32
    return %arg0, %c0_i32 : i32, i32
  }
}

</mosaic_0001>

<sc_bundles>
// kernel: kernel.6.cloned.1.call-start
scs
__scs_entry_jumppad:
0x0: {  	(pc) =	sbr.rel $0x88, $3  }
0x1: {  	(tag) =	ssettag $0x0;
	lr =	simm.s32 $0x1  }
0x2: {  	[smem:$0x3F97] =	sst lr;
	_ =	strace $0xD0000000  }
0x3: {  	_ = 	snop  }
0x4: {  	_ = 	snop  }
0x5: {  	_ = 	snop  }
0x6: {  	_ = 	snop  }
0x7: {  	_ = 	snop  }
__scs_overlays_trampoline_lowered:
0x8: {  	[smem:$0x3FA6] =	sst s0  }
0x9: {  	[smem:$0x3FA7] =	sst s1  }
0xa: {  	[smem:$0x3FA8] =	sst s2  }
0xb: {  	[smem:$0x3FA9] =	sst s3  }
0xc: {  	[smem:$0x3FAA] =	sst s4  }
0xd: {  	[smem:$0x3FAB] =	sst s5  }
0xe: {  	[smem:$0x3FAC] =	sst s6  }
0xf: {  	[smem:$0x3FAD] =	sst s7  }
0x10: {  	[smem:$0x3FAE] =	sst s8  }
0x11: {  	[smem:$0x3FAF] =	sst s9;
	s0 =	simm.s32 @!p0 $0x0  }
0x12: {  	s1 =	sld [smem:$0x3F95];
	s0 =	simm.s32 @p0 $0x1  }
0x13: {  	[smem:$0x3FB0] =	sst s0;
	s0 =	simm.s32 @!p1 $0x0  }
0x14: {  	s2 =	sld [smem:$0x3F94];
	s0 =	simm.s32 @p1 $0x1  }
0x15: {  	[smem:$0x3FB1] =	sst s0;
	s0 =	simm.s32 @!p2 $0x0  }
0x16: {  	s3 =	sld [smem:$0x3FDB];
	s0 =	simm.s32 @p2 $0x1  }
0x17: {  	s4 =	simm.s32 $0x1BF5;
	[smem:$0x3FB3] =	sst s0  }
0x18: {  	s0 =	sld [smem:$0x3F96];
	_ =	swait.ge [sflag:s4], $0x0  }
0x19: {  	s7 =	sld [smem:$0x3F97]  }
0x1a: {  	s8 =	sadd.s32 $0xFFFFE003, lr  }
0x1b: {  	s9 =	sadd.s32 $0xFFFFFEF7, lr;
	s5 =	simm.s32 $0xFFFFFFFF;
	p2 =	slt.u32 s8, $0xFFFFF086  }
0x1c: {  	p1 =	slt.u32 s9, $0xF7A;
	s5 =	simm.s32 @!p2 $0x0  }
0x1d: {  	s5 =	simm.s32 @p1 $0x1;
	p0 =	seq.s32 s7, s2  }
0x1e: {  	s7 =	smul.u32 @!p0 $0xF7A, s2;
	p2 =	seq.s32 @!p0 s5, $0x0  }
0x1f: {  	s9 =	smul.u32 $0xF7A, s1;
	s8 =	simm.s32 @!p0 $0x1BF5;
	p2 =	por !p2, p0  }
0x20: {  	[sflag:s8] =	ssyncset.s32 @!p0 $0xFFFFF086;
	s6 =	sadd.s32 @!p0 s3, s7;
	s7 =	simm.s32 @!p0 $0x108  }
0x21: {  	s3 =	sadd.s32 s3, s9;
	s6 =	sadd.s32 @!p0 $0x88, s6;
	s7 =	simm.s32 @p2 $0x1082  }
0x22: {  	[simem:s7], [sflag:s8] =	dma.local @!p0 [hbm:s6], $0xF7A  }
0x23: {  	s9 =	sor.u32 $0xD0000000, s2;
	s6 =	simm.s32 $0x108;
	_ =	swait.ge @!p0 [sflag:s8], $0x0  }
0x24: {  	s3 =	sadd.s32 $0x88, s3;
	s6 =	simm.s32 @!p1 $0x1082;
	[sflag:s4] =	ssyncset.s32 $0xFFFFF086  }
0x25: {  	[simem:s6], [sflag:s4] =	dma.local [hbm:s3], $0xF7A  }
0x26: {  	[smem:$0x3F97] =	sst s1;
	(tag) =	ssettag s2;
	_ =	strace s9  }
0x27: {  	s1 =	sld [smem:$0x3FA7]  }
0x28: {  	s2 =	sld [smem:$0x3FA8]  }
0x29: {  	s4 =	sld [smem:$0x3FAA]  }
0x2a: {  	p0 =	seq.s32 s5, $0x0;
	s5 =	sld [smem:$0x3FAB]  }
0x2b: {  	s6 =	sld [smem:$0x3FAC]  }
0x2c: {  	s7 =	sld [smem:$0x3FAD]  }
0x2d: {  	s3 =	simm.s32 $0x108;
	s8 =	sld [smem:$0x3FAE]  }
0x2e: {  	s3 =	simm.s32 @!p0 $0x1082;
	s9 =	sld [smem:$0x3FAF]  }
0x2f: {  	lr =	sadd.s32 s0, s3;
	s0 =	sld [smem:$0x3FA6]  }
0x30: {  	s3 =	sld [smem:$0x3FA9]  }
0x31: {  	[smem:$0x3FB2] =	sst s10  }
0x32: {  	s10 =	sld [smem:$0x3FB0];
	_ =	sdelay $0x3  }
0x33: {  	p0 =	seq.s32 s10, $0x1;
	s10 =	sld [smem:$0x3FB2];
	_ =	sdelay $0x3  }
0x34: {  	[smem:$0x3FB2] =	sst s10  }
0x35: {  	s10 =	sld [smem:$0x3FB1];
	_ =	sdelay $0x3  }
0x36: {  	p1 =	seq.s32 s10, $0x1;
	s10 =	sld [smem:$0x3FB2];
	_ =	sdelay $0x3  }
0x37: {  	[smem:$0x3FB2] =	sst s10  }
0x38: {  	s10 =	sld [smem:$0x3FB3]  }
0x39: {  	_ = 	snop;
	(pc) =	sbr.ind lr, $3  }
0x3a: {  	_ = 	snop  }
0x3b: {  	_ = 	snop  }
0x3c: {  	p2 =	seq.s32 s10, $0x1;
	s10 =	sld [smem:$0x3FB2]  }
0x3d: {  	_ =	shalt  }
0x3e: {  	_ =	shalt  }
0x3f: {  	_ =	shalt  }
0x40: {  	_ =	shalt  }
0x41: {  	_ =	shalt  }
0x42: {  	_ =	shalt  }
0x43: {  	_ =	shalt  }
0x44: {  	_ =	shalt  }
0x45: {  	_ =	shalt  }
0x46: {  	_ =	shalt  }
0x47: {  	_ =	shalt  }
0x48: {  	_ =	shalt  }
0x49: {  	_ =	shalt  }
0x4a: {  	_ =	shalt  }
0x4b: {  	_ =	shalt  }
0x4c: {  	_ =	shalt  }
0x4d: {  	_ =	shalt  }
0x4e: {  	_ =	shalt  }
0x4f: {  	_ =	shalt  }
0x50: {  	_ =	shalt  }
0x51: {  	_ =	shalt  }
0x52: {  	_ =	shalt  }
0x53: {  	_ =	shalt  }
0x54: {  	_ =	shalt  }
0x55: {  	_ =	shalt  }
0x56: {  	_ =	shalt  }
0x57: {  	_ =	shalt  }
0x58: {  	_ =	shalt  }
0x59: {  	_ =	shalt  }
0x5a: {  	_ =	shalt  }
0x5b: {  	_ =	shalt  }
0x5c: {  	_ =	shalt  }
0x5d: {  	_ =	shalt  }
0x5e: {  	_ =	shalt  }
0x5f: {  	_ =	shalt  }
0x60: {  	_ =	shalt  }
0x61: {  	_ =	shalt  }
0x62: {  	_ =	shalt  }
0x63: {  	_ =	shalt  }
0x64: {  	_ =	shalt  }
0x65: {  	_ =	shalt  }
0x66: {  	_ =	shalt  }
0x67: {  	_ =	shalt  }
0x68: {  	_ =	shalt  }
0x69: {  	_ =	shalt  }
0x6a: {  	_ =	shalt  }
0x6b: {  	_ =	shalt  }
0x6c: {  	_ =	shalt  }
0x6d: {  	_ =	shalt  }
0x6e: {  	_ =	shalt  }
0x6f: {  	_ =	shalt  }
0x70: {  	_ =	shalt  }
0x71: {  	_ =	shalt  }
0x72: {  	_ =	shalt  }
0x73: {  	_ =	shalt  }
0x74: {  	_ =	shalt  }
0x75: {  	_ =	shalt  }
0x76: {  	_ =	shalt  }
0x77: {  	_ =	shalt  }
0x78: {  	_ =	shalt  }
0x79: {  	_ =	shalt  }
0x7a: {  	_ =	shalt  }
0x7b: {  	_ =	shalt  }
0x7c: {  	_ =	shalt  }
0x7d: {  	_ =	shalt  }
0x7e: {  	_ =	shalt  }
0x7f: {  	_ =	shalt  }
0x80: {  	_ =	shalt  }
0x81: {  	_ =	shalt  }
0x82: {  	_ =	shalt  }
0x83: {  	_ =	shalt  }
0x84: {  	_ =	shalt  }
0x85: {  	_ =	shalt  }
0x86: {  	_ =	shalt  }
0x87: {  	_ =	shalt  }
.Lfunc_end0:
.L_simem_size_0:
called_computation_lowered:
.L_overlay_start_0:
0x88: {  	s2 =	sld [smem:$0x3FD9]  }
0x89: {  	s3 =	sld [smem:$0x3FFE];
	_ =	sdelay $0x1  }
0x8a: {  	s1 =	srdreg.scid  }
0x8b: {  	s0 =	sand.u32 $0x1, s1  }
0x8c: {  	s17 =	sshll.u32 s0, $0xA;
	s2 =	sadd.s32 s3, s2  }
0x8d: {  	s2 =	sadd.s32 s2, s17  }
0x8e: {  	[smem:$0x3FBE] =	sst s2  }
0x8f: {  	_ = 	snop  }
0x90: {  	s2 =	sld [smem:$0x3FC9];
	(tm) =	ssettm $0x1  }
0x91: {  	s18 =	sld [smem:$0x3FFB];
	_ =	sdelay $0x3  }
0x92: {  	_ =	strace s18  }
0x93: {  	s3 =	sld [smem:$0x3FFC];
	_ =	sdelay $0x3  }
0x94: {  	_ =	strace s3  }
0x95: {  	s3 =	sld [smem:$0x3FFD];
	_ =	sdelay $0x3  }
0x96: {  	_ =	strace s3  }
0x97: {  	_ =	strace $0x8FFFFFFF  }
0x98: {  	s19 =	sld [smem:$0x3FDB];
	_ =	sdelay $0x1  }
0x99: {  	s4 =	simm.s32 $_scs_section_size  }
0x9a: {  	s5 =	simm.s32 $_size__tile_overlayer_lowered;
	s6 =	simm.s32 $_tile_overlayer_lowered  }
0x9b: {  	s22 =	simm.s32 $0x1BFF;
	s21 =	sshll.u32 s6, $0x1;
	s3 =	sadd.s32 s4, s19  }
0x9c: {  	s7 =	simm.s32 $0x0;
	s20 =	sshll.u32 s5, $0x1;
	s5 =	sadd.s32 s21, s3  }
0x9d: {  	[timem:s7], [sflag:s22] =	dma.local [hbm:s5], s20  }
0x9e: {  	_ =	swait.ge [sflag:s22], s20  }
0x9f: {  	s4 =	ssub.s32 $0x0, s20;
	[sflag:s22] =	ssyncset.done $0x0  }
0xa0: {  	[sflag:s22] =	ssyncadd.s32 s4;
	_ =	sdelay $0x1  }
0xa1: {  	s23 =	simm.s32 $0x1B8B  }
0xa2: {  	_ =	swait.ge [sflag:s23], $0x1  }
0xa3: {  	[sflag:s23] =	ssyncset.done $0x0  }
0xa4: {  	s25 =	simm.s32 $0x1B8E;
	s24 =	sld [smem:$0x3FFE];
	[sflag:s23] =	ssyncadd.s32 $0xFFFFFFFF  }
0xa5: {  	s26 =	simm.s32 $execute0_lowered;
	[smem:$0x3FD2] =	sst s25  }
0xa6: {  	s5 =	sshll.u32 s26, $0x1;
	_ =	strace $0x80000046;
	[dreg:$0x1] =	wrdreg $0xFFFFFFFF  }
0xa7: {  	s28 =	simm.s32 $_size_execute0_lowered;
	s3 =	sadd.s32 s3, s5;
	[dreg:$0x0] =	wrdreg $0x0  }
0xa8: {  	s5 =	sshll.u32 s28, $0x1;
	[dreg:$0x2] =	wrdreg s3  }
0xa9: {  	[dreg:$0x3] =	wrdreg s5  }
0xaa: {  	[dreg:$0x4] =	wrdreg $0xC0  }
0xab: {  	_ =	task [dreg:s7], $0x5FFFF  }
0xac: {  	[dreg:$0x1] =	wrdreg $0xFFFFFFFF  }
0xad: {  	[dreg:$0x0] =	wrdreg $0x60  }
0xae: {  	[dreg:$0x2] =	wrdreg s2  }
0xaf: {  	[dreg:$0x3] =	wrdreg s24  }
0xb0: {  	[dreg:$0x4] =	wrdreg $0x8F800  }
0xb1: {  	[dreg:$0x5] =	wrdreg $0x12BC00  }
0xb2: {  	[dreg:$0x6] =	wrdreg $0x9  }
0xb3: {  	_ =	task.clear_ibuf [dreg:s7], $0x7FFFF;
	_ =	strace $0x90000046  }
0xb4: {  	s29 =	simm.s32 $0x9;
	_ =	strace $0x80000048  }
0xb5: {  	_ =	swait.ge [sflag:s29], $0x1  }
0xb6: {  	[sflag:s29] =	ssyncadd.s32 $0xFFFFFFFF  }
0xb7: {  	_ =	strace $0x90000048  }
0xb8: {  	_ =	sfence  }
0xb9: {  	s30 =	sld [smem:$0x0];
	_ =	sdelay $0x2  }
0xba: {  	s31 =	sshll.u32 s1, $0xD;
	s1 =	sshrl.u32 s1, $0x2  }
0xbb: {  	s3 =	sand.u32 $0x4000, s31;
	s1 =	sadd.s32 s1, s30  }
0xbc: {  	s0 =	sor.u32 s3, s0;
	s1 =	sshll.u32 s1, $0x11  }
0xbd: {  	s0 =	sor.u32 s1, s0  }
0xbe: {  	s0 =	sadd.s32 $0x8F2B, s0  }
0xbf: {  	[sflag:s0] =	ssyncadd.remote.s32 $0x1  }
0xc0: {  	_ =	sfence.sel $0xFFFF  }
0xc1: {  	[dreg:$0x0] =	wrdreg $0xFFFFFFFF;
	(pc) =	sbr.abs _section_cstart, $3  }
0xc2: {  	[dreg:$0x1] =	wrdreg $0xFFFFFFFF  }
0xc3: {  	_ =	task.clear_ibuf [dreg:s7], $0x2FFFF;
	_ =	strace $0x9FFFFFFF  }
0xc4: {  	(tm) =	ssettm $0x7FFFFFFF  }
0xc5: {  	_ =	shalt  }
tec
execute0_lowered:
.L_overlay_start_1:
0x0: {  	(tag) =	ssettag $0x1  }
0x1: {  	s0 =	rddreg [dreg:$0x0]  }
0x2: {  	s3 =	rddreg [dreg:$0x1]  }
0x3: {  	s1 =	rddreg [dreg:$0x2]  }
0x4: {  	s2 =	rddreg [dreg:$0x3];
	s16 =	stileid.u32  }
0x5: {  	s4 =	srdreg.scid;
	s11 =	smul.u32 $0xA000, s16  }
0x6: {  	s20 =	simm.s32 $0x1;
	s28 =	simm.s32 $0x70;
	s8 =	smul.u32 $0x500, s16  }
0x7: {  	s29 =	simm.s32 $0x3B80;
	s30 =	simm.s32 $0x5780;
	s12 =	smul.u32 $0x13880, s16  }
0x8: {  	s31 =	simm.s32 $0x2;
	s9 =	sand.u32 $0x1, s4;
	s14 =	smul.u32 $0x27100, s16  }
0x9: {  	s4 =	simm.s32 $0x0;
	s5 =	sadd.s32 $0xBE00, s3;
	s24 =	smul.u32 $0x28000, s16  }
0xa: {  	s6 =	sadd.s32 $0x2000, s3;
	s7 =	smul.u32 $0xA0000, s9;
	[smem:$0x7FF] =	sst s4  }
0xb: {  	s10 =	ssub.s32 $0x2, s9;
	s25 =	sshll.u32 s9, $0x6;
	_ =	strace $0x80000047  }
0xc: {  	s23 =	sshrl.u32 s10, $0x1;
	s14 =	sshrl.u32 s14, $0x2;
	s19 =	sadd.s32 s11, s2  }
0xd: {  	s7 =	sadd.s32 s11, s7;
	s15 =	ssub.s32 s10, s23;
	s10 =	sor.u32 s25, s12  }
0xe: {  	s26 =	sadd.s32 s14, s1;
	s7 =	sshrl.u32 s7, $0x3;
	s21 =	smax.u32 s15, $0x1  }
0xf: {  	s10 =	sshrl.u32 s10, $0x3;
	s26 =	sshrl.u32 s26, $0x3;
	[dreg:$0xb] =	wrdreg s21  }
0x10: {  	s13 =	sadd.s32 s7, s3;
	s0 =	sadd.s32 s0, s10;
	[dreg:$0x10] =	wrdreg s26  }
0x11: {  	s3 =	sadd.s32 s8, s3;
	[dreg:$0x6] =	wrdreg s0;
	s18 =	sadd.s32 $0x15C00, s13  }
0x12: {  	s8 =	sshrl.u32 s24, $0x2;
	s3 =	sadd.s32 $0x3DC00, s3;
	[dreg:$0x9] =	wrdreg s18  }
0x13: {  	s7 =	smul.u32 $0xB4, s16;
	s8 =	sadd.s32 s8, s2;
	[dreg:$0xa] =	wrdreg s3  }
0x14: {  	s16 =	sshll.u32 s16, $0x6;
	s0 =	sshrl.u32 s19, $0x3;
	[dreg:$0x5] =	wrdreg s8  }
0x15: {  	p0 =	sne.s32 s9, $0x0;
	s14 =	sor.u32 $0x1C09, s16;
	[dreg:$0x11] =	wrdreg s0  }
0x16: {  	s9 =	simm.s32 $0x4;
	s17 =	sadd.s32 $0x8C00, s8;
	[dreg:$0x7] =	wrdreg s14  }
0x17: {  	s11 =	simm.s32 $0x6;
	s22 =	sadd.s32 $0x1C00, s8;
	[dreg:$0x8] =	wrdreg s17  }
0x18: {  	s12 =	simm.s32 $0x7;
	s23 =	sadd.s32 $0x3800, s8;
	[dreg:$0xc] =	wrdreg s22  }
0x19: {  	s21 =	simm.s32 $0x8;
	s24 =	sadd.s32 $0x5400, s8;
	[dreg:$0xd] =	wrdreg s23  }
0x1a: {  	s26 =	simm.s32 $0xFC0;
	s25 =	sadd.s32 $0x7000, s8;
	[dreg:$0xe] =	wrdreg s24  }
0x1b: {  	s0 =	simm.s32 $0x7380;
	s3 =	simm.s32 $0x3;
	[dreg:$0xf] =	wrdreg s25  }
0x1c: {  	v0 =	vimm.f32 $0.0e+00;
	s23 =	simm.s32 $0x9;
	s24 =	simm.s32 $0x1F80;
	s22 =	simm.s32 $0x5  }
.LBB2_1:
0x1d: {  	s8 =	rddreg [dreg:$0x6]  }
0x1e: {  	s10 =	rddreg [dreg:$0x10];
	s13 =	simm.s32 $0x10  }
0x1f: {  	[spmem:s10@s21], [sflag:s14] =	dma.strided [hbm:s8@s13], $0x1388, s20, $0x8   }
0x20: {  	_ =	swait.ge [sflag:s23], $0x1388  }
0x21: {  	[sflag:s23] =	ssyncset.done $0x0  }
0x22: {  	s14 =	simm.s32 $0x100;
	s13 =	simm.s32 $0x0;
	[sflag:s23] =	ssyncadd.s32 $0xFFFFEC78  }
.LBB2_2:
0x23: {  	p1 =	sne.s32 s14, $0x6F00;
	[tilespmem:s13+$0x1FB0] =	vst v0;
	s15 =	smov.u32 s14;
	s14 =	sadd.s32 $0x100, s14  }
.Ltmp0:
0x24: {  	[tilespmem:s13+$0x1FA0] =	vst v0;
	(pc) =	sbr.rel @p1 .LBB2_2-.Ltmp0, $3  }
0x25: {  	[tilespmem:s13+$0x1F80] =	vst v0  }
0x26: {  	[tilespmem:s13+$0x1F90] =	vst v0;
	_ =	sdelay $0x1  }
0x27: {  	s13 =	sshra.s32 s15, $0x2  }
0x28: {  	[tilespmem:s13+$0x1FB0] =	vst v0  }
0x29: {  	[tilespmem:s13+$0x1FA0] =	vst v0  }
0x2a: {  	[tilespmem:s13+$0x1F80] =	vst v0  }
0x2b: {  	[tilespmem:s13+$0x1F90] =	vst v0;
	s8 =	rddreg [dreg:$0x5]  }
0x2c: {  	[spmem:s8] =	stream.linear.scatter [tilespmem:s24], [sflag:$0x9], $0x1C00, $0x38;
	[tilespmem:$0x1F3C0] =	vst v63  }
0x2d: {  	_ =	swait.ge [sflag:s23], $0x1C00  }
0x2e: {  	[sflag:s23] =	ssyncset.done $0x0  }
0x2f: {  	s16 =	rddreg [dreg:$0xc];
	[sflag:s23] =	ssyncadd.s32 $0xFFFFE400  }
0x30: {  	[spmem:s16] =	stream.linear.scatter [tilespmem:s24], [sflag:$0x9], $0x1C00, $0x38;
	[tilespmem:$0x1F3C0] =	vst v63  }
0x31: {  	_ =	swait.ge [sflag:s23], $0x1C00  }
0x32: {  	[sflag:s23] =	ssyncset.done $0x0  }
0x33: {  	s17 =	rddreg [dreg:$0xd];
	[sflag:s23] =	ssyncadd.s32 $0xFFFFE400  }
0x34: {  	[spmem:s17] =	stream.linear.scatter [tilespmem:s24], [sflag:$0x9], $0x1C00, $0x38;
	[tilespmem:$0x1F3C0] =	vst v63  }
0x35: {  	_ =	swait.ge [sflag:s23], $0x1C00  }
0x36: {  	[sflag:s23] =	ssyncset.done $0x0  }
0x37: {  	s18 =	rddreg [dreg:$0xe];
	[sflag:s23] =	ssyncadd.s32 $0xFFFFE400  }
0x38: {  	[spmem:s18] =	stream.linear.scatter [tilespmem:s24], [sflag:$0x9], $0x1C00, $0x38;
	[tilespmem:$0x1F3C0] =	vst v63  }
0x39: {  	_ =	swait.ge [sflag:s23], $0x1C00  }
0x3a: {  	[sflag:s23] =	ssyncset.done $0x0  }
0x3b: {  	s19 =	rddreg [dreg:$0xf];
	[sflag:s23] =	ssyncadd.s32 $0xFFFFE400  }
0x3c: {  	[spmem:s19] =	stream.linear.scatter [tilespmem:s24], [sflag:$0x9], $0x1C00, $0x38;
	[tilespmem:$0x1F3C0] =	vst v63  }
0x3d: {  	_ =	swait.ge [sflag:s23], $0x1C00  }
0x3e: {  	[sflag:s23] =	ssyncset.done $0x0  }
0x3f: {  	s25 =	rddreg [dreg:$0x8];
	[sflag:s23] =	ssyncadd.s32 $0xFFFFE400  }
0x40: {  	[spmem:s25] =	stream.linear.scatter [tilespmem:s24], [sflag:$0x9], $0x1400, $0x38;
	[tilespmem:$0x1F3C0] =	vst v63  }
0x41: {  	_ =	swait.ge [sflag:s23], $0x1400  }
0x42: {  	[sflag:s23] =	ssyncset.done $0x0  }
0x43: {  	s13 =	simm.s32 $0x40;
	s14 =	simm.s32 $0x0;
	[sflag:s23] =	ssyncadd.s32 $0xFFFFEC00  }
.LBB2_4:
0x44: {  	p1 =	sne.s32 s13, $0x9FC0;
	[tilespmem:s14+$0x1CBC0] =	vst v0;
	s14 =	smov.u32 s13;
	s13 =	sadd.s32 $0x40, s13  }
.Ltmp1:
0x45: {  	(pc) =	sbr.rel @p1 .LBB2_4-.Ltmp1, $2  }
0x46: {  	_ =	sdelay $0x2  }
0x47: {  	s14 =	sshra.s32 s14, $0x2  }
0x48: {  	[tilespmem:s14+$0x1CBC0] =	vst v0  }
0x49: {  	s13 =	simm.s32 $0x0;
	s14 =	simm.s32 $0x0;
	[bflag:$0x0] =	sbarrier.arrive $0xFFFF  }
.LBB2_6:
0x4a: {  	s15 =	smul.u32 $0x24, s14;
	_ =	sdelay $0x1  }
0x4b: {  	s15 =	sadd.s32 s7, s15  }
0x4c: {  	s15 =	smul.u32 $0xE, s15;
	_ =	sdelay $0x1  }
0x4d: {  	s16 =	sadd.s32 s5, s15  }
0x4e: {  	[tilespmem:s13], [sflag:$0x9] =	stream.linear.gather [hbm4b:s16+s13], $0xFC0, $0x38;
	[tilespmem:$0x1F3C0] =	vst v63  }
0x4f: {  	_ =	swait.ge [sflag:s23], $0xFC0  }
0x50: {  	[sflag:s23] =	ssyncset.done $0x0  }
0x51: {  	s15 =	sadd.s32 s6, s15;
	[sflag:s23] =	ssyncadd.s32 $0xFFFFF040  }
0x52: {  	[tilespmem:s26], [sflag:$0x9] =	stream.linear.gather [hbm4b:s15+s13], $0xFC0, $0x38;
	[tilespmem:$0x1F3C0] =	vst v63  }
0x53: {  	_ =	swait.ge [sflag:s23], $0xFC0  }
0x54: {  	[sflag:s23] =	ssyncset.done $0x0  }
0x55: {  	[sflag:s23] =	ssyncadd.s32 $0xFFFFF040  }
0x56: {  	[tilespmem:s24], [sflag:$0x1] =	stream.indirect.gather [spmem:s1], $0x40, s13, s28, $0xb8;
	[tilespmem:$0x1F3C0] =	vst v63  }
0x57: {  	s15 =	simm.s32 $0x0  }
0x58: {  	[tilespmem:s29], [sflag:$0x2] =	stream.indirect.gather [spmem:s1], $0x40, s28, s28, $0xb8;
	[tilespmem:$0x1F3C0] =	vst v63  }
.LBB2_7:
0x59: {  	_ =	swait.ge [sflag:s20], $0x1C00  }
0x5a: {  	s18 =	sshra.s32 s15, $0x2;
	[sflag:s20] =	ssyncset.done $0x0  }
0x5b: {  	p1 =	seq.s32 s15, $0x0;
	s16 =	sadd.s32 $0xFC0, s18;
	[sflag:s20] =	ssyncadd.s32 $0xFFFFE400  }
0x5c: {  	[spmem:s2] =	stream.indirect.scatter.add.f32 [tilespmem:s24], [sflag:$0x5], $0x40, s16, s28, $0xb8;
	[tilespmem:$0x1F3C0] =	vst v63  }
0x5d: {  	s16 =	simm.s32 @!p1 $0x7  }
0x5e: {  	_ =	swait.ge @!p1 [sflag:s16], $0x1C00  }
0x5f: {  	[sflag:s16] =	ssyncset.done @!p1 $0x0  }
0x60: {  	s25 =	sadd.s32 $0xE0, s18;
	[sflag:s16] =	ssyncadd.s32 @!p1 $0xFFFFE400;
	s16 =	sshra.s32 @!p0 s15, $0x2  }
0x61: {  	[tilespmem:s30], [sflag:$0x3] =	stream.indirect.gather [spmem:s1], $0x40, s25, s28, $0xb8;
	[tilespmem:$0x1F3C0] =	vst v63  }
0x62: {  	v1 =	vld @!p0 [tilespmem:s16+$0xFC0];
	_ =	sdelay $0x6  }
0x63: {  	v2 =	vimm.f32 @!p0 $1.000000000e+00;
	s17 =	simm.s32 @!p0 $0x1CBC0  }
0x64: {  	[tilespmem:v1+s17+$0x0] =	vst.idx.add.f32.msk @!p0 $0xffff, v2  }
0x65: {  	v1 =	vld @!p0 [tilespmem:s16+$0xFD0];
	_ =	sdelay $0x7  }
0x66: {  	[tilespmem:v1+s17+$0x0] =	vst.idx.add.f32.msk @!p0 $0xffff, v2  }
0x67: {  	v1 =	vld @!p0 [tilespmem:s16+$0xFE0];
	_ =	sdelay $0x7  }
0x68: {  	[tilespmem:v1+s17+$0x0] =	vst.idx.add.f32.msk @!p0 $0xffff, v2  }
0x69: {  	v1 =	vld @!p0 [tilespmem:s16+$0xFF0];
	_ =	sdelay $0x7  }
0x6a: {  	[tilespmem:v1+s17+$0x0] =	vst.idx.add.f32.msk @!p0 $0xffff, v2  }
0x6b: {  	v1 =	vld @!p0 [tilespmem:s16+$0x1000];
	_ =	sdelay $0x7  }
0x6c: {  	[tilespmem:v1+s17+$0x0] =	vst.idx.add.f32.msk @!p0 $0xffff, v2  }
0x6d: {  	v1 =	vld @!p0 [tilespmem:s16+$0x1010];
	_ =	sdelay $0x7  }
0x6e: {  	[tilespmem:v1+s17+$0x0] =	vst.idx.add.f32.msk @!p0 $0xffff, v2  }
0x6f: {  	v1 =	vld @!p0 [tilespmem:s16+$0x1020];
	_ =	sdelay $0x7  }
0x70: {  	[tilespmem:v1+s17+$0x0] =	vst.idx.add.f32.msk @!p0 $0xffff, v2  }
0x71: {  	_ =	swait.ge [sflag:s31], $0x1C00  }
0x72: {  	[sflag:s31] =	ssyncset.done $0x0  }
0x73: {  	s19 =	sadd.s32 $0x1030, s18;
	[sflag:s31] =	ssyncadd.s32 $0xFFFFE400  }
0x74: {  	[spmem:s2] =	stream.indirect.scatter.add.f32 [tilespmem:s29], [sflag:$0x6], $0x40, s19, s28, $0xb8;
	[tilespmem:$0x1F3C0] =	vst v63  }
0x75: {  	s19 =	simm.s32 @!p1 $0x8  }
0x76: {  	_ =	swait.ge @!p1 [sflag:s19], $0x1C00  }
0x77: {  	[sflag:s19] =	ssyncset.done @!p1 $0x0  }
0x78: {  	s8 =	sadd.s32 $0x150, s18;
	[sflag:s19] =	ssyncadd.s32 @!p1 $0xFFFFE400  }
0x79: {  	[tilespmem:s0], [sflag:$0x4] =	stream.indirect.gather [spmem:s1], $0x40, s8, s28, $0xb8;
	[tilespmem:$0x1F3C0] =	vst v63  }
0x7a: {  	v1 =	vld @!p0 [tilespmem:s18+$0x1030];
	_ =	sdelay $0x7  }
0x7b: {  	[tilespmem:v1+s17+$0x0] =	vst.idx.add.f32.msk @!p0 $0xffff, v2  }
0x7c: {  	v1 =	vld @!p0 [tilespmem:s16+$0x1040];
	_ =	sdelay $0x7  }
0x7d: {  	[tilespmem:v1+s17+$0x0] =	vst.idx.add.f32.msk @!p0 $0xffff, v2  }
0x7e: {  	v1 =	vld @!p0 [tilespmem:s16+$0x1050];
	_ =	sdelay $0x7  }
0x7f: {  	[tilespmem:v1+s17+$0x0] =	vst.idx.add.f32.msk @!p0 $0xffff, v2  }
0x80: {  	v1 =	vld @!p0 [tilespmem:s16+$0x1060];
	_ =	sdelay $0x7  }
0x81: {  	[tilespmem:v1+s17+$0x0] =	vst.idx.add.f32.msk @!p0 $0xffff, v2  }
0x82: {  	v1 =	vld @!p0 [tilespmem:s16+$0x1070];
	_ =	sdelay $0x7  }
0x83: {  	[tilespmem:v1+s17+$0x0] =	vst.idx.add.f32.msk @!p0 $0xffff, v2  }
0x84: {  	v1 =	vld @!p0 [tilespmem:s16+$0x1080];
	_ =	sdelay $0x7  }
0x85: {  	[tilespmem:v1+s17+$0x0] =	vst.idx.add.f32.msk @!p0 $0xffff, v2  }
0x86: {  	v1 =	vld @!p0 [tilespmem:s16+$0x1090];
	_ =	sdelay $0x7  }
0x87: {  	[tilespmem:v1+s17+$0x0] =	vst.idx.add.f32.msk @!p0 $0xffff, v2  }
0x88: {  	_ =	swait.ge [sflag:s3], $0x1C00  }
0x89: {  	[sflag:s3] =	ssyncset.done $0x0  }
0x8a: {  	s10 =	sadd.s32 $0x10A0, s18;
	[sflag:s3] =	ssyncadd.s32 $0xFFFFE400  }
0x8b: {  	[spmem:s2] =	stream.indirect.scatter.add.f32 [tilespmem:s30], [sflag:$0x7], $0x40, s10, s28, $0xb8;
	[tilespmem:$0x1F3C0] =	vst v63  }
0x8c: {  	p1 =	seq.s32 s15, $0x3800;
	_ =	swait.ge [sflag:s22], $0x1C00  }
0x8d: {  	s19 =	sshra.s32 @!p1 s15, $0x2;
	s8 =	simm.s32 @!p1 $0x70;
	[sflag:s22] =	ssyncset.done $0x0  }
0x8e: {  	s25 =	sadd.s32 @!p1 $0x1C0, s19;
	s10 =	simm.s32 @!p1 $0x1F80;
	[sflag:s22] =	ssyncadd.s32 $0xFFFFE400  }
0x8f: {  	[tilespmem:s10], [sflag:$0x1] =	stream.indirect.gather @!p1 [spmem:s1], $0x40, s25, s8, $0xb8;
	[tilespmem:$0x1F3C0] =	vst v63  }
0x90: {  	v1 =	vld @!p0 [tilespmem:s18+$0x10A0];
	_ =	sdelay $0x7  }
0x91: {  	[tilespmem:v1+s17+$0x0] =	vst.idx.add.f32.msk @!p0 $0xffff, v2  }
0x92: {  	v1 =	vld @!p0 [tilespmem:s16+$0x10B0];
	_ =	sdelay $0x7  }
0x93: {  	[tilespmem:v1+s17+$0x0] =	vst.idx.add.f32.msk @!p0 $0xffff, v2  }
0x94: {  	v1 =	vld @!p0 [tilespmem:s16+$0x10C0];
	_ =	sdelay $0x7  }
0x95: {  	[tilespmem:v1+s17+$0x0] =	vst.idx.add.f32.msk @!p0 $0xffff, v2  }
0x96: {  	v1 =	vld @!p0 [tilespmem:s16+$0x10D0];
	_ =	sdelay $0x7  }
0x97: {  	[tilespmem:v1+s17+$0x0] =	vst.idx.add.f32.msk @!p0 $0xffff, v2  }
0x98: {  	v1 =	vld @!p0 [tilespmem:s16+$0x10E0];
	_ =	sdelay $0x7  }
0x99: {  	[tilespmem:v1+s17+$0x0] =	vst.idx.add.f32.msk @!p0 $0xffff, v2  }
0x9a: {  	v1 =	vld @!p0 [tilespmem:s16+$0x10F0];
	_ =	sdelay $0x7  }
0x9b: {  	[tilespmem:v1+s17+$0x0] =	vst.idx.add.f32.msk @!p0 $0xffff, v2  }
0x9c: {  	v1 =	vld @!p0 [tilespmem:s16+$0x1100];
	_ =	sdelay $0x7  }
0x9d: {  	[tilespmem:v1+s17+$0x0] =	vst.idx.add.f32.msk @!p0 $0xffff, v2  }
0x9e: {  	_ =	swait.ge [sflag:s9], $0x1C00  }
0x9f: {  	[sflag:s9] =	ssyncset.done $0x0  }
0xa0: {  	s25 =	sadd.s32 $0x1110, s18;
	[sflag:s9] =	ssyncadd.s32 $0xFFFFE400  }
0xa1: {  	[spmem:s2] =	stream.indirect.scatter.add.f32 [tilespmem:s0], [sflag:$0x8], $0x40, s25, s28, $0xb8;
	[tilespmem:$0x1F3C0] =	vst v63  }
0xa2: {  	_ =	swait.ge [sflag:s11], $0x1C00  }
0xa3: {  	[sflag:s11] =	ssyncset.done $0x0  }
0xa4: {  	s10 =	sadd.s32 @!p1 $0x230, s19;
	s19 =	simm.s32 @!p1 $0x3B80;
	[sflag:s11] =	ssyncadd.s32 $0xFFFFE400  }
0xa5: {  	[tilespmem:s19], [sflag:$0x2] =	stream.indirect.gather @!p1 [spmem:s1], $0x40, s10, s8, $0xb8;
	[tilespmem:$0x1F3C0] =	vst v63  }
0xa6: {  	v1 =	vld @!p0 [tilespmem:s18+$0x1110];
	_ =	sdelay $0x7  }
0xa7: {  	[tilespmem:v1+s17+$0x0] =	vst.idx.add.f32.msk @!p0 $0xffff, v2  }
0xa8: {  	v1 =	vld @!p0 [tilespmem:s16+$0x1120];
	_ =	sdelay $0x7  }
0xa9: {  	[tilespmem:v1+s17+$0x0] =	vst.idx.add.f32.msk @!p0 $0xffff, v2  }
0xaa: {  	v1 =	vld @!p0 [tilespmem:s16+$0x1130];
	_ =	sdelay $0x7  }
0xab: {  	[tilespmem:v1+s17+$0x0] =	vst.idx.add.f32.msk @!p0 $0xffff, v2  }
0xac: {  	v1 =	vld @!p0 [tilespmem:s16+$0x1140];
	_ =	sdelay $0x7  }
0xad: {  	[tilespmem:v1+s17+$0x0] =	vst.idx.add.f32.msk @!p0 $0xffff, v2  }
0xae: {  	v1 =	vld @!p0 [tilespmem:s16+$0x1150];
	_ =	sdelay $0x7  }
0xaf: {  	[tilespmem:v1+s17+$0x0] =	vst.idx.add.f32.msk @!p0 $0xffff, v2  }
0xb0: {  	v1 =	vld @!p0 [tilespmem:s16+$0x1160];
	_ =	sdelay $0x7  }
0xb1: {  	[tilespmem:v1+s17+$0x0] =	vst.idx.add.f32.msk @!p0 $0xffff, v2  }
0xb2: {  	v1 =	vld @!p0 [tilespmem:s16+$0x1170];
	_ =	sdelay $0x1  }
0xb3: {  	s15 =	sadd.s32 $0x700, s15  }
0xb4: {  	p1 =	sne.s32 s15, $0x3F00  }
.Ltmp2:
0xb5: {  	_ = 	snop;
	(pc) =	sbr.rel @p1 .LBB2_7-.Ltmp2, $2  }
0xb6: {  	_ =	sdelay $0x2  }
0xb7: {  	[tilespmem:v1+s17+$0x0] =	vst.idx.add.f32.msk @!p0 $0xffff, v2  }
0xb8: {  	s14 =	sadd.s32 $0x1, s14  }
0xb9: {  	_ =	swait.ge [sflag:s12], $0x1C00;
	p1 =	sne.s32 s14, $0x5  }
.Ltmp3:
0xba: {  	[sflag:s12] =	ssyncset.done $0x0;
	(pc) =	sbr.rel @p1 .LBB2_6-.Ltmp3, $4  }
0xbb: {  	[sflag:s12] =	ssyncadd.s32 $0xFFFFE400  }
0xbc: {  	_ =	swait.ge [sflag:s21], $0x1C00  }
0xbd: {  	[sflag:s21] =	ssyncset.done $0x0  }
0xbe: {  	[sflag:s21] =	ssyncadd.s32 $0xFFFFE400  }
0xbf: {  	[bflag:$0x0] =	sbarrier.arrive $0xFFFF  }
0xc0: {  	s14 =	rddreg [dreg:$0x7]  }
0xc1: {  	s8 =	rddreg [dreg:$0x9]  }
0xc2: {  	s10 =	rddreg [dreg:$0x11]  }
0xc3: {  	[hbm:s8], [sflag:s14] =	dma.local [spmem:s10], $0x1400  }
0xc4: {  	_ =	swait.ge [sflag:s23], $0x1400  }
0xc5: {  	s8 =	simm.s32 @!p0 $0x0;
	[sflag:s23] =	ssyncset.done $0x0  }
0xc6: {  	s10 =	simm.s32 @!p0 $0x1CBC0;
	s13 =	rddreg [dreg:$0xa];
	[sflag:s23] =	ssyncadd.s32 $0xFFFFEC00  }
0xc7: {  	[hbm4b:s13+s8] =	stream.linear.scatter @!p0 [tilespmem:s10], [sflag:$0x9], $0x2800, $0x38;
	[tilespmem:$0x1F3C0] =	vst v63  }
0xc8: {  	s8 =	simm.s32 @!p0 $0x9  }
0xc9: {  	_ =	swait.ge @!p0 [sflag:s8], $0x2800  }
0xca: {  	s4 =	sadd.s32 $0x1, s4;
	s25 =	rddreg [dreg:$0xb]  }
0xcb: {  	p1 =	sne.s32 s4, s25  }
.Ltmp4:
0xcc: {  	_ = 	snop;
	(pc) =	sbr.rel @p1 .LBB2_1-.Ltmp4, $3  }
0xcd: {  	_ =	sdelay $0x1  }
0xce: {  	[sflag:s8] =	ssyncset.done @!p0 $0x0  }
0xcf: {  	[sflag:s8] =	ssyncadd.s32 @!p0 $0xFFFFD800  }
0xd0: {  	_ =	sfence.sel $0x180000  }
0xd1: {  	[bflag:$0x0] =	sbarrier.arrive $0xFFFF  }
0xd2: {  	_ =	strace $0x90000047  }
0xd3: {  	s0 =	stileid.u32;
	[bflag:$0x2] =	sbarrier.arrive $0xFFFF  }
0xd4: {  	p0 =	sne.s32 s0, $0x0;
	s0 =	rddreg [dreg:$0x4]  }
0xd5: {  	s0 =	sadd.s32 @!p0 $0x100000, s0  }
0xd6: {  	[sflag:s0] =	ssyncadd.tile.s32 @!p0 $0x1;
	_ =	shalt  }
.Lfunc_end2:
_tile_overlayer_lowered:
.L_overlay_start_2:
0xd7: {  	(tag) =	ssettag $0x2  }
0xd8: {  	s0 =	rddreg [dreg:$0x0];
	s2 =	stileid.u32  }
0xd9: {  	s1 =	rddreg [dreg:$0x1];
	p0 =	sne.s32 s2, $0x0  }
0xda: {  	s3 =	rddreg [dreg:$0x2];
	[bflag:$0x3] =	sbarrier.arrive $0xFFFF;
	s2 =	simm.s32 @!p0 $0x1C09  }
0xdb: {  	[timem:s3], [sflag:s2] =	dma.local @!p0 [hbm:s0], s1  }
0xdc: {  	s0 =	simm.s32 @!p0 $0x9  }
0xdd: {  	_ =	swait.ge @!p0 [sflag:s0], s1  }
0xde: {  	s1 =	ssub.s32 @!p0 $0x0, s1;
	[sflag:s0] =	ssyncset.done @!p0 $0x0  }
0xdf: {  	[sflag:s0] =	ssyncadd.s32 @!p0 s1  }
0xe0: {  	[bflag:$0x3] =	sbarrier.arrive $0xFFFF  }
0xe1: {  	_ =	shalt  }

// kernel: kernel.9.cloned.1.call-start
scs
__scs_entry_jumppad:
0x0: {  	(pc) =	sbr.rel $0x88, $3  }
0x1: {  	(tag) =	ssettag $0x0;
	lr =	simm.s32 $0x1  }
0x2: {  	[smem:$0x3F97] =	sst lr;
	_ =	strace $0xD0000000  }
0x3: {  	_ = 	snop  }
0x4: {  	_ = 	snop  }
0x5: {  	_ = 	snop  }
0x6: {  	_ = 	snop  }
0x7: {  	_ = 	snop  }
__scs_overlays_trampoline_lowered:
0x8: {  	[smem:$0x3FA6] =	sst s0  }
0x9: {  	[smem:$0x3FA7] =	sst s1  }
0xa: {  	[smem:$0x3FA8] =	sst s2  }
0xb: {  	[smem:$0x3FA9] =	sst s3  }
0xc: {  	[smem:$0x3FAA] =	sst s4  }
0xd: {  	[smem:$0x3FAB] =	sst s5  }
0xe: {  	[smem:$0x3FAC] =	sst s6  }
0xf: {  	[smem:$0x3FAD] =	sst s7  }
0x10: {  	[smem:$0x3FAE] =	sst s8  }
0x11: {  	[smem:$0x3FAF] =	sst s9;
	s0 =	simm.s32 @!p0 $0x0  }
0x12: {  	s1 =	sld [smem:$0x3F95];
	s0 =	simm.s32 @p0 $0x1  }
0x13: {  	[smem:$0x3FB0] =	sst s0;
	s0 =	simm.s32 @!p1 $0x0  }
0x14: {  	s2 =	sld [smem:$0x3F94];
	s0 =	simm.s32 @p1 $0x1  }
0x15: {  	[smem:$0x3FB1] =	sst s0;
	s0 =	simm.s32 @!p2 $0x0  }
0x16: {  	s3 =	sld [smem:$0x3FDB];
	s0 =	simm.s32 @p2 $0x1  }
0x17: {  	s4 =	simm.s32 $0x1BF5;
	[smem:$0x3FB3] =	sst s0  }
0x18: {  	s0 =	sld [smem:$0x3F96];
	_ =	swait.ge [sflag:s4], $0x0  }
0x19: {  	s7 =	sld [smem:$0x3F97]  }
0x1a: {  	s8 =	sadd.s32 $0xFFFFE003, lr  }
0x1b: {  	s9 =	sadd.s32 $0xFFFFFEF7, lr;
	s5 =	simm.s32 $0xFFFFFFFF;
	p2 =	slt.u32 s8, $0xFFFFF086  }
0x1c: {  	p1 =	slt.u32 s9, $0xF7A;
	s5 =	simm.s32 @!p2 $0x0  }
0x1d: {  	s5 =	simm.s32 @p1 $0x1;
	p0 =	seq.s32 s7, s2  }
0x1e: {  	s7 =	smul.u32 @!p0 $0xF7A, s2;
	p2 =	seq.s32 @!p0 s5, $0x0  }
0x1f: {  	s9 =	smul.u32 $0xF7A, s1;
	s8 =	simm.s32 @!p0 $0x1BF5;
	p2 =	por !p2, p0  }
0x20: {  	[sflag:s8] =	ssyncset.s32 @!p0 $0xFFFFF086;
	s6 =	sadd.s32 @!p0 s3, s7;
	s7 =	simm.s32 @!p0 $0x108  }
0x21: {  	s3 =	sadd.s32 s3, s9;
	s6 =	sadd.s32 @!p0 $0x88, s6;
	s7 =	simm.s32 @p2 $0x1082  }
0x22: {  	[simem:s7], [sflag:s8] =	dma.local @!p0 [hbm:s6], $0xF7A  }
0x23: {  	s9 =	sor.u32 $0xD0000000, s2;
	s6 =	simm.s32 $0x108;
	_ =	swait.ge @!p0 [sflag:s8], $0x0  }
0x24: {  	s3 =	sadd.s32 $0x88, s3;
	s6 =	simm.s32 @!p1 $0x1082;
	[sflag:s4] =	ssyncset.s32 $0xFFFFF086  }
0x25: {  	[simem:s6], [sflag:s4] =	dma.local [hbm:s3], $0xF7A  }
0x26: {  	[smem:$0x3F97] =	sst s1;
	(tag) =	ssettag s2;
	_ =	strace s9  }
0x27: {  	s1 =	sld [smem:$0x3FA7]  }
0x28: {  	s2 =	sld [smem:$0x3FA8]  }
0x29: {  	s4 =	sld [smem:$0x3FAA]  }
0x2a: {  	p0 =	seq.s32 s5, $0x0;
	s5 =	sld [smem:$0x3FAB]  }
0x2b: {  	s6 =	sld [smem:$0x3FAC]  }
0x2c: {  	s7 =	sld [smem:$0x3FAD]  }
0x2d: {  	s3 =	simm.s32 $0x108;
	s8 =	sld [smem:$0x3FAE]  }
0x2e: {  	s3 =	simm.s32 @!p0 $0x1082;
	s9 =	sld [smem:$0x3FAF]  }
0x2f: {  	lr =	sadd.s32 s0, s3;
	s0 =	sld [smem:$0x3FA6]  }
0x30: {  	s3 =	sld [smem:$0x3FA9]  }
0x31: {  	[smem:$0x3FB2] =	sst s10  }
0x32: {  	s10 =	sld [smem:$0x3FB0];
	_ =	sdelay $0x3  }
0x33: {  	p0 =	seq.s32 s10, $0x1;
	s10 =	sld [smem:$0x3FB2];
	_ =	sdelay $0x3  }
0x34: {  	[smem:$0x3FB2] =	sst s10  }
0x35: {  	s10 =	sld [smem:$0x3FB1];
	_ =	sdelay $0x3  }
0x36: {  	p1 =	seq.s32 s10, $0x1;
	s10 =	sld [smem:$0x3FB2];
	_ =	sdelay $0x3  }
0x37: {  	[smem:$0x3FB2] =	sst s10  }
0x38: {  	s10 =	sld [smem:$0x3FB3]  }
0x39: {  	_ = 	snop;
	(pc) =	sbr.ind lr, $3  }
0x3a: {  	_ = 	snop  }
0x3b: {  	_ = 	snop  }
0x3c: {  	p2 =	seq.s32 s10, $0x1;
	s10 =	sld [smem:$0x3FB2]  }
0x3d: {  	_ =	shalt  }
0x3e: {  	_ =	shalt  }
0x3f: {  	_ =	shalt  }
0x40: {  	_ =	shalt  }
0x41: {  	_ =	shalt  }
0x42: {  	_ =	shalt  }
0x43: {  	_ =	shalt  }
0x44: {  	_ =	shalt  }
0x45: {  	_ =	shalt  }
0x46: {  	_ =	shalt  }
0x47: {  	_ =	shalt  }
0x48: {  	_ =	shalt  }
0x49: {  	_ =	shalt  }
0x4a: {  	_ =	shalt  }
0x4b: {  	_ =	shalt  }
0x4c: {  	_ =	shalt  }
0x4d: {  	_ =	shalt  }
0x4e: {  	_ =	shalt  }
0x4f: {  	_ =	shalt  }
0x50: {  	_ =	shalt  }
0x51: {  	_ =	shalt  }
0x52: {  	_ =	shalt  }
0x53: {  	_ =	shalt  }
0x54: {  	_ =	shalt  }
0x55: {  	_ =	shalt  }
0x56: {  	_ =	shalt  }
0x57: {  	_ =	shalt  }
0x58: {  	_ =	shalt  }
0x59: {  	_ =	shalt  }
0x5a: {  	_ =	shalt  }
0x5b: {  	_ =	shalt  }
0x5c: {  	_ =	shalt  }
0x5d: {  	_ =	shalt  }
0x5e: {  	_ =	shalt  }
0x5f: {  	_ =	shalt  }
0x60: {  	_ =	shalt  }
0x61: {  	_ =	shalt  }
0x62: {  	_ =	shalt  }
0x63: {  	_ =	shalt  }
0x64: {  	_ =	shalt  }
0x65: {  	_ =	shalt  }
0x66: {  	_ =	shalt  }
0x67: {  	_ =	shalt  }
0x68: {  	_ =	shalt  }
0x69: {  	_ =	shalt  }
0x6a: {  	_ =	shalt  }
0x6b: {  	_ =	shalt  }
0x6c: {  	_ =	shalt  }
0x6d: {  	_ =	shalt  }
0x6e: {  	_ =	shalt  }
0x6f: {  	_ =	shalt  }
0x70: {  	_ =	shalt  }
0x71: {  	_ =	shalt  }
0x72: {  	_ =	shalt  }
0x73: {  	_ =	shalt  }
0x74: {  	_ =	shalt  }
0x75: {  	_ =	shalt  }
0x76: {  	_ =	shalt  }
0x77: {  	_ =	shalt  }
0x78: {  	_ =	shalt  }
0x79: {  	_ =	shalt  }
0x7a: {  	_ =	shalt  }
0x7b: {  	_ =	shalt  }
0x7c: {  	_ =	shalt  }
0x7d: {  	_ =	shalt  }
0x7e: {  	_ =	shalt  }
0x7f: {  	_ =	shalt  }
0x80: {  	_ =	shalt  }
0x81: {  	_ =	shalt  }
0x82: {  	_ =	shalt  }
0x83: {  	_ =	shalt  }
0x84: {  	_ =	shalt  }
0x85: {  	_ =	shalt  }
0x86: {  	_ =	shalt  }
0x87: {  	_ =	shalt  }
.Lfunc_end0:
.L_simem_size_0:
called_computation.1_lowered:
.L_overlay_start_0:
0x88: {  	s2 =	sld [smem:$0x3FD9]  }
0x89: {  	s3 =	sld [smem:$0x3FFE];
	_ =	sdelay $0x1  }
0x8a: {  	s1 =	srdreg.scid  }
0x8b: {  	s0 =	sand.u32 $0x1, s1  }
0x8c: {  	s17 =	sshll.u32 s0, $0xA;
	s2 =	sadd.s32 s3, s2  }
0x8d: {  	s2 =	sadd.s32 s2, s17  }
0x8e: {  	[smem:$0x3FBE] =	sst s2  }
0x8f: {  	_ = 	snop  }
0x90: {  	s2 =	sld [smem:$0x3FD0];
	(tm) =	ssettm $0x1  }
0x91: {  	s18 =	sld [smem:$0x3FFB];
	_ =	sdelay $0x3  }
0x92: {  	_ =	strace s18  }
0x93: {  	s3 =	sld [smem:$0x3FFC];
	_ =	sdelay $0x3  }
0x94: {  	_ =	strace s3  }
0x95: {  	s3 =	sld [smem:$0x3FFD];
	_ =	sdelay $0x3  }
0x96: {  	_ =	strace s3  }
0x97: {  	_ =	strace $0x8FFFFFFF  }
0x98: {  	s19 =	sld [smem:$0x3FDB];
	_ =	sdelay $0x1  }
0x99: {  	s4 =	simm.s32 $_scs_section_size  }
0x9a: {  	s5 =	simm.s32 $_size__tile_overlayer_lowered;
	s6 =	simm.s32 $_tile_overlayer_lowered  }
0x9b: {  	s22 =	simm.s32 $0x1BFF;
	s21 =	sshll.u32 s6, $0x1;
	s3 =	sadd.s32 s4, s19  }
0x9c: {  	s7 =	simm.s32 $0x0;
	s20 =	sshll.u32 s5, $0x1;
	s5 =	sadd.s32 s21, s3  }
0x9d: {  	[timem:s7], [sflag:s22] =	dma.local [hbm:s5], s20  }
0x9e: {  	_ =	swait.ge [sflag:s22], s20  }
0x9f: {  	s4 =	ssub.s32 $0x0, s20;
	[sflag:s22] =	ssyncset.done $0x0  }
0xa0: {  	[sflag:s22] =	ssyncadd.s32 s4;
	_ =	sdelay $0x1  }
0xa1: {  	s23 =	simm.s32 $0x1B8B  }
0xa2: {  	_ =	swait.ge [sflag:s23], $0x1  }
0xa3: {  	[sflag:s23] =	ssyncset.done $0x0  }
0xa4: {  	s25 =	simm.s32 $0x1B8E;
	s24 =	sld [smem:$0x3FFE];
	[sflag:s23] =	ssyncadd.s32 $0xFFFFFFFF  }
0xa5: {  	s26 =	simm.s32 $execute0_lowered;
	[smem:$0x3FD2] =	sst s25  }
0xa6: {  	s5 =	sshll.u32 s26, $0x1;
	_ =	strace $0x80000049;
	[dreg:$0x1] =	wrdreg $0xFFFFFFFF  }
0xa7: {  	s28 =	simm.s32 $_size_execute0_lowered;
	s3 =	sadd.s32 s3, s5;
	[dreg:$0x0] =	wrdreg $0x0  }
0xa8: {  	s5 =	sshll.u32 s28, $0x1;
	[dreg:$0x2] =	wrdreg s3  }
0xa9: {  	[dreg:$0x3] =	wrdreg s5  }
0xaa: {  	[dreg:$0x4] =	wrdreg $0xC0  }
0xab: {  	_ =	task [dreg:s7], $0x5FFFF  }
0xac: {  	[dreg:$0x1] =	wrdreg $0xFFFFFFFF  }
0xad: {  	[dreg:$0x0] =	wrdreg $0x60  }
0xae: {  	[dreg:$0x2] =	wrdreg s24  }
0xaf: {  	[dreg:$0x3] =	wrdreg s2  }
0xb0: {  	[dreg:$0x4] =	wrdreg $0xC0800  }
0xb1: {  	[dreg:$0x5] =	wrdreg $0x15CC00  }
0xb2: {  	[dreg:$0x6] =	wrdreg $0x9  }
0xb3: {  	_ =	task.clear_ibuf [dreg:s7], $0x7FFFF;
	_ =	strace $0x90000049  }
0xb4: {  	s29 =	simm.s32 $0x9;
	_ =	strace $0x8000004B  }
0xb5: {  	_ =	swait.ge [sflag:s29], $0x1  }
0xb6: {  	[sflag:s29] =	ssyncadd.s32 $0xFFFFFFFF  }
0xb7: {  	_ =	strace $0x9000004B  }
0xb8: {  	_ =	sfence  }
0xb9: {  	s30 =	sld [smem:$0x0];
	_ =	sdelay $0x2  }
0xba: {  	s31 =	sshll.u32 s1, $0xD;
	s1 =	sshrl.u32 s1, $0x2  }
0xbb: {  	s3 =	sand.u32 $0x4000, s31;
	s1 =	sadd.s32 s1, s30  }
0xbc: {  	s0 =	sor.u32 s3, s0;
	s1 =	sshll.u32 s1, $0x11  }
0xbd: {  	s0 =	sor.u32 s1, s0  }
0xbe: {  	s0 =	sadd.s32 $0x8F2B, s0  }
0xbf: {  	[sflag:s0] =	ssyncadd.remote.s32 $0x1  }
0xc0: {  	_ =	sfence.sel $0xFFFF  }
0xc1: {  	[dreg:$0x0] =	wrdreg $0xFFFFFFFF;
	(pc) =	sbr.abs _section_cstart, $3  }
0xc2: {  	[dreg:$0x1] =	wrdreg $0xFFFFFFFF  }
0xc3: {  	_ =	task.clear_ibuf [dreg:s7], $0x2FFFF;
	_ =	strace $0x9FFFFFFF  }
0xc4: {  	(tm) =	ssettm $0x7FFFFFFF  }
0xc5: {  	_ =	shalt  }
tec
execute0_lowered:
.L_overlay_start_1:
0x0: {  	(tag) =	ssettag $0x1  }
0x1: {  	s0 =	rddreg [dreg:$0x0]  }
0x2: {  	s1 =	rddreg [dreg:$0x1]  }
0x3: {  	s2 =	rddreg [dreg:$0x2]  }
0x4: {  	s3 =	rddreg [dreg:$0x3];
	s14 =	stileid.u32  }
0x5: {  	s5 =	srdreg.scid;
	s4 =	simm.s32 $0x0;
	s18 =	simm.s32 $0x9  }
0x6: {  	s28 =	simm.s32 $0x2;
	s31 =	simm.s32 $0xA480;
	s6 =	smul.u32 $0x9C40, s14  }
0x7: {  	s30 =	simm.s32 $0x4;
	s29 =	simm.s32 $0x6;
	s10 =	smul.u32 $0xA000, s14  }
0x8: {  	s5 =	sand.u32 $0x1, s5;
	[smem:$0x7FF] =	sst s4;
	s20 =	smul.u32 $0x28000, s14  }
0x9: {  	s7 =	sshll.u32 s14, $0x1;
	s22 =	sshll.u32 s14, $0x6;
	s8 =	smul.u32 $0xA0000, s5  }
0xa: {  	s7 =	sor.u32 s5, s7;
	_ =	strace $0x8000004A;
	s5 =	ssub.s32 $0x2, s5  }
0xb: {  	s9 =	sshrl.u32 s6, $0x3;
	s11 =	smul.u32 $0x508, s7;
	s13 =	sshrl.u32 s5, $0x1  }
0xc: {  	s21 =	sshrl.u32 s20, $0x2;
	s6 =	sadd.s32 s6, s2;
	s26 =	sadd.s32 s10, s3  }
0xd: {  	s20 =	simm.s32 $0x2840;
	s9 =	sadd.s32 s9, s0;
	s19 =	sadd.s32 s10, s8  }
0xe: {  	s13 =	ssub.s32 s5, s13;
	s5 =	sadd.s32 s21, s3;
	s17 =	sshrl.u32 s6, $0x3  }
0xf: {  	s21 =	simm.s32 $0x70;
	s6 =	simm.s32 $0x8;
	s12 =	sadd.s32 s11, s0  }
0x10: {  	s7 =	sshrl.u32 s19, $0x3;
	s23 =	sadd.s32 $0x2000, s9;
	s24 =	sadd.s32 $0x8C00, s5  }
0x11: {  	s1 =	sadd.s32 s1, s11;
	s14 =	sadd.s32 $0x3800, s5;
	s15 =	sadd.s32 $0x5400, s5  }
0x12: {  	s16 =	sadd.s32 $0x7000, s5;
	s19 =	simm.s32 $0x5080;
	[dreg:$0x5] =	wrdreg s23  }
0x13: {  	s0 =	sadd.s32 s7, s0;
	s7 =	sor.u32 $0x1C09, s22;
	[dreg:$0x6] =	wrdreg s24  }
.Ltmp0:
0x14: {  	[dreg:$0x7] =	wrdreg s1;
	s25 =	sadd.s32 $0x42C00, s12;
	(pc) =	sbr.rel .LBB2_1-.Ltmp0, $4  }
0x15: {  	s12 =	smax.u32 s13, $0x1;
	s13 =	sadd.s32 $0x1C00, s5;
	s22 =	simm.s32 $0x6C80  }
0x16: {  	s23 =	simm.s32 $0x1;
	s24 =	simm.s32 $0x5;
	s1 =	simm.s32 $0x7  }
0x17: {  	[dreg:$0x8] =	wrdreg s25;
	s0 =	sadd.s32 $0x15A00, s0;
	s25 =	sshrl.u32 s26, $0x3  }
0x18: {  	v0 =	vimm.f32 $0.0e+00;
	s26 =	simm.s32 $0x8880;
	[dreg:$0x9] =	wrdreg s0;
	s0 =	simm.s32 $0x3  }
.LBB2_6:
0x19: {  	_ =	swait.ge [sflag:s30], $0x1C00  }
0x1a: {  	[sflag:s30] =	ssyncset.done $0x0  }
0x1b: {  	[sflag:s30] =	ssyncadd.s32 $0xFFFFE400  }
0x1c: {  	[spmem:s3] =	stream.indirect.scatter.add.f32 [tilespmem:s31], [sflag:$0x8], $0x40, s10, s21, $0xb8;
	[tilespmem:$0x1FCC0] =	vst v63  }
0x1d: {  	_ =	swait.ge [sflag:s29], $0x1C00  }
0x1e: {  	[sflag:s29] =	ssyncset.done $0x0  }
0x1f: {  	[sflag:s29] =	ssyncadd.s32 $0xFFFFE400  }
0x20: {  	_ =	swait.ge [sflag:s1], $0x1C00  }
0x21: {  	[sflag:s1] =	ssyncset.done $0x0  }
0x22: {  	[sflag:s1] =	ssyncadd.s32 $0xFFFFE400  }
0x23: {  	_ =	swait.ge [sflag:s6], $0x1C00  }
0x24: {  	[sflag:s6] =	ssyncset.done $0x0  }
0x25: {  	s4 =	sadd.s32 $0x1, s4;
	[sflag:s6] =	ssyncadd.s32 $0xFFFFE400  }
0x26: {  	p0 =	sne.s32 s4, s12;
	[bflag:$0x0] =	sbarrier.arrive $0xFFFF  }
.Ltmp1:
0x27: {  	s8 =	rddreg [dreg:$0x9];
	(pc) =	sbr.rel @!p0 .LBB2_7-.Ltmp1, $4  }
0x28: {  	[hbm:s8], [sflag:s7] =	dma.local [spmem:s25], $0x1400  }
0x29: {  	_ =	swait.ge [sflag:s18], $0x1400  }
0x2a: {  	[sflag:s18] =	ssyncset.done $0x0  }
0x2b: {  	[sflag:s18] =	ssyncadd.s32 $0xFFFFEC00  }
.LBB2_1:
0x2c: {  	s8 =	rddreg [dreg:$0x5]  }
0x2d: {  	[spmem:s17], [sflag:s7] =	dma.local [hbm:s8], $0x1388  }
0x2e: {  	_ =	swait.ge [sflag:s18], $0x1388  }
0x2f: {  	[sflag:s18] =	ssyncset.done $0x0  }
0x30: {  	s9 =	simm.s32 $0x100;
	s8 =	simm.s32 $0x0;
	[sflag:s18] =	ssyncadd.s32 $0xFFFFEC78  }
.LBB2_2:
0x31: {  	p0 =	sne.s32 s9, $0x6F00;
	[tilespmem:s8+$0x50B0] =	vst v0;
	s10 =	smov.u32 s9;
	s9 =	sadd.s32 $0x100, s9  }
.Ltmp2:
0x32: {  	[tilespmem:s8+$0x50A0] =	vst v0;
	(pc) =	sbr.rel @p0 .LBB2_2-.Ltmp2, $3  }
0x33: {  	[tilespmem:s8+$0x5080] =	vst v0  }
0x34: {  	[tilespmem:s8+$0x5090] =	vst v0;
	_ =	sdelay $0x1  }
0x35: {  	s8 =	sshra.s32 s10, $0x2  }
0x36: {  	[tilespmem:s8+$0x50B0] =	vst v0  }
0x37: {  	[tilespmem:s8+$0x50A0] =	vst v0  }
0x38: {  	[tilespmem:s8+$0x5080] =	vst v0  }
0x39: {  	[tilespmem:s8+$0x5090] =	vst v0  }
0x3a: {  	[spmem:s5] =	stream.linear.scatter [tilespmem:s19], [sflag:$0x9], $0x1C00, $0x38;
	[tilespmem:$0x1FCC0] =	vst v63  }
0x3b: {  	_ =	swait.ge [sflag:s18], $0x1C00  }
0x3c: {  	[sflag:s18] =	ssyncset.done $0x0  }
0x3d: {  	[sflag:s18] =	ssyncadd.s32 $0xFFFFE400  }
0x3e: {  	[spmem:s13] =	stream.linear.scatter [tilespmem:s19], [sflag:$0x9], $0x1C00, $0x38;
	[tilespmem:$0x1FCC0] =	vst v63  }
0x3f: {  	_ =	swait.ge [sflag:s18], $0x1C00  }
0x40: {  	[sflag:s18] =	ssyncset.done $0x0  }
0x41: {  	[sflag:s18] =	ssyncadd.s32 $0xFFFFE400  }
0x42: {  	[spmem:s14] =	stream.linear.scatter [tilespmem:s19], [sflag:$0x9], $0x1C00, $0x38;
	[tilespmem:$0x1FCC0] =	vst v63  }
0x43: {  	_ =	swait.ge [sflag:s18], $0x1C00  }
0x44: {  	[sflag:s18] =	ssyncset.done $0x0  }
0x45: {  	[sflag:s18] =	ssyncadd.s32 $0xFFFFE400  }
0x46: {  	[spmem:s15] =	stream.linear.scatter [tilespmem:s19], [sflag:$0x9], $0x1C00, $0x38;
	[tilespmem:$0x1FCC0] =	vst v63  }
0x47: {  	_ =	swait.ge [sflag:s18], $0x1C00  }
0x48: {  	[sflag:s18] =	ssyncset.done $0x0  }
0x49: {  	[sflag:s18] =	ssyncadd.s32 $0xFFFFE400  }
0x4a: {  	[spmem:s16] =	stream.linear.scatter [tilespmem:s19], [sflag:$0x9], $0x1C00, $0x38;
	[tilespmem:$0x1FCC0] =	vst v63  }
0x4b: {  	_ =	swait.ge [sflag:s18], $0x1C00  }
0x4c: {  	[sflag:s18] =	ssyncset.done $0x0  }
0x4d: {  	s9 =	rddreg [dreg:$0x6];
	[sflag:s18] =	ssyncadd.s32 $0xFFFFE400  }
0x4e: {  	[spmem:s9] =	stream.linear.scatter [tilespmem:s19], [sflag:$0x9], $0x1400, $0x38;
	[tilespmem:$0x1FCC0] =	vst v63  }
0x4f: {  	_ =	swait.ge [sflag:s18], $0x1400  }
0x50: {  	[sflag:s18] =	ssyncset.done $0x0  }
0x51: {  	[sflag:s18] =	ssyncadd.s32 $0xFFFFEC00  }
0x52: {  	[bflag:$0x0] =	sbarrier.arrive $0xFFFF  }
0x53: {  	s8 =	simm.s32 $0x0;
	s9 =	rddreg [dreg:$0x7]  }
0x54: {  	[tilespmem:s8], [sflag:$0x9] =	stream.linear.gather [hbm4b:s9+s8], $0x2840, $0x38;
	[tilespmem:$0x1FCC0] =	vst v63  }
0x55: {  	_ =	swait.ge [sflag:s18], $0x2840  }
0x56: {  	[sflag:s18] =	ssyncset.done $0x0  }
0x57: {  	s10 =	rddreg [dreg:$0x8];
	[sflag:s18] =	ssyncadd.s32 $0xFFFFD7C0  }
0x58: {  	[tilespmem:s20], [sflag:$0x9] =	stream.linear.gather [hbm4b:s10+s8], $0x2840, $0x38;
	[tilespmem:$0x1FCC0] =	vst v63  }
0x59: {  	_ =	swait.ge [sflag:s18], $0x2840  }
0x5a: {  	[sflag:s18] =	ssyncset.done $0x0  }
0x5b: {  	[sflag:s18] =	ssyncadd.s32 $0xFFFFD7C0  }
0x5c: {  	[tilespmem:s19], [sflag:$0x1] =	stream.indirect.gather [spmem:s2], $0x40, s8, s21, $0xb8;
	[tilespmem:$0x1FCC0] =	vst v63  }
0x5d: {  	_ = 	snop  }
0x5e: {  	[tilespmem:s22], [sflag:$0x2] =	stream.indirect.gather [spmem:s2], $0x40, s21, s21, $0xb8;
	[tilespmem:$0x1FCC0] =	vst v63  }
0x5f: {  	_ =	swait.ge [sflag:s23], $0x1C00  }
0x60: {  	[sflag:s23] =	ssyncset.done $0x0  }
0x61: {  	[sflag:s23] =	ssyncadd.s32 $0xFFFFE400  }
0x62: {  	[spmem:s3] =	stream.indirect.scatter.add.f32 [tilespmem:s19], [sflag:$0x5], $0x40, s20, s21, $0xb8;
	[tilespmem:$0x1FCC0] =	vst v63  }
0x63: {  	s11 =	simm.s32 $0xE0  }
0x64: {  	[tilespmem:s26], [sflag:$0x3] =	stream.indirect.gather [spmem:s2], $0x40, s11, s21, $0xb8;
	[tilespmem:$0x1FCC0] =	vst v63  }
0x65: {  	_ =	swait.ge [sflag:s28], $0x1C00  }
0x66: {  	[sflag:s28] =	ssyncset.done $0x0  }
0x67: {  	s10 =	simm.s32 $0x28B0;
	[sflag:s28] =	ssyncadd.s32 $0xFFFFE400  }
0x68: {  	[spmem:s3] =	stream.indirect.scatter.add.f32 [tilespmem:s22], [sflag:$0x6], $0x40, s10, s21, $0xb8;
	[tilespmem:$0x1FCC0] =	vst v63  }
0x69: {  	s11 =	simm.s32 $0x150  }
0x6a: {  	[tilespmem:s31], [sflag:$0x4] =	stream.indirect.gather [spmem:s2], $0x40, s11, s21, $0xb8;
	[tilespmem:$0x1FCC0] =	vst v63  }
0x6b: {  	_ =	swait.ge [sflag:s0], $0x1C00  }
0x6c: {  	[sflag:s0] =	ssyncset.done $0x0  }
0x6d: {  	s10 =	simm.s32 $0x2920;
	[sflag:s0] =	ssyncadd.s32 $0xFFFFE400  }
0x6e: {  	[spmem:s3] =	stream.indirect.scatter.add.f32 [tilespmem:s26], [sflag:$0x7], $0x40, s10, s21, $0xb8;
	[tilespmem:$0x1FCC0] =	vst v63  }
0x6f: {  	_ =	swait.ge [sflag:s24], $0x1C00  }
0x70: {  	[sflag:s24] =	ssyncset.done $0x0  }
0x71: {  	s11 =	simm.s32 $0x1C0;
	[sflag:s24] =	ssyncadd.s32 $0xFFFFE400  }
0x72: {  	[tilespmem:s19], [sflag:$0x1] =	stream.indirect.gather [spmem:s2], $0x40, s11, s21, $0xb8;
	[tilespmem:$0x1FCC0] =	vst v63  }
0x73: {  	_ =	swait.ge [sflag:s30], $0x1C00  }
0x74: {  	[sflag:s30] =	ssyncset.done $0x0  }
0x75: {  	s10 =	simm.s32 $0x2990;
	[sflag:s30] =	ssyncadd.s32 $0xFFFFE400  }
0x76: {  	[spmem:s3] =	stream.indirect.scatter.add.f32 [tilespmem:s31], [sflag:$0x8], $0x40, s10, s21, $0xb8;
	[tilespmem:$0x1FCC0] =	vst v63  }
0x77: {  	_ =	swait.ge [sflag:s29], $0x1C00  }
0x78: {  	[sflag:s29] =	ssyncset.done $0x0  }
0x79: {  	s11 =	simm.s32 $0x230;
	[sflag:s29] =	ssyncadd.s32 $0xFFFFE400  }
0x7a: {  	[tilespmem:s22], [sflag:$0x2] =	stream.indirect.gather [spmem:s2], $0x40, s11, s21, $0xb8;
	[tilespmem:$0x1FCC0] =	vst v63  }
.LBB2_4:
0x7b: {  	_ =	swait.ge [sflag:s23], $0x1C00  }
0x7c: {  	s9 =	sshra.s32 s8, $0x2;
	[sflag:s23] =	ssyncset.done $0x0  }
0x7d: {  	s10 =	sadd.s32 $0x2A00, s9;
	[sflag:s23] =	ssyncadd.s32 $0xFFFFE400  }
0x7e: {  	[spmem:s3] =	stream.indirect.scatter.add.f32 [tilespmem:s19], [sflag:$0x5], $0x40, s10, s21, $0xb8;
	[tilespmem:$0x1FCC0] =	vst v63  }
0x7f: {  	_ =	swait.ge [sflag:s1], $0x1C00  }
0x80: {  	[sflag:s1] =	ssyncset.done $0x0  }
0x81: {  	s11 =	sadd.s32 $0x2A0, s9;
	[sflag:s1] =	ssyncadd.s32 $0xFFFFE400  }
0x82: {  	[tilespmem:s26], [sflag:$0x3] =	stream.indirect.gather [spmem:s2], $0x40, s11, s21, $0xb8;
	[tilespmem:$0x1FCC0] =	vst v63  }
0x83: {  	_ =	swait.ge [sflag:s28], $0x1C00  }
0x84: {  	[sflag:s28] =	ssyncset.done $0x0  }
0x85: {  	s11 =	sadd.s32 $0x2A70, s9;
	[sflag:s28] =	ssyncadd.s32 $0xFFFFE400  }
0x86: {  	[spmem:s3] =	stream.indirect.scatter.add.f32 [tilespmem:s22], [sflag:$0x6], $0x40, s11, s21, $0xb8;
	[tilespmem:$0x1FCC0] =	vst v63  }
0x87: {  	_ =	swait.ge [sflag:s6], $0x1C00  }
0x88: {  	[sflag:s6] =	ssyncset.done $0x0  }
0x89: {  	s11 =	sadd.s32 $0x310, s9;
	[sflag:s6] =	ssyncadd.s32 $0xFFFFE400  }
0x8a: {  	[tilespmem:s31], [sflag:$0x4] =	stream.indirect.gather [spmem:s2], $0x40, s11, s21, $0xb8;
	[tilespmem:$0x1FCC0] =	vst v63  }
0x8b: {  	_ =	swait.ge [sflag:s0], $0x1C00  }
0x8c: {  	p0 =	seq.s32 s8, $0x9300;
	[sflag:s0] =	ssyncset.done $0x0  }
.Ltmp3:
0x8d: {  	s11 =	sadd.s32 $0x2AE0, s9;
	[sflag:s0] =	ssyncadd.s32 $0xFFFFE400;
	(pc) =	sbr.rel @p0 .LBB2_6-.Ltmp3, $4  }
0x8e: {  	[spmem:s3] =	stream.indirect.scatter.add.f32 [tilespmem:s26], [sflag:$0x7], $0x40, s11, s21, $0xb8;
	[tilespmem:$0x1FCC0] =	vst v63  }
0x8f: {  	_ =	swait.ge [sflag:s24], $0x1C00  }
0x90: {  	[sflag:s24] =	ssyncset.done $0x0  }
0x91: {  	s10 =	sadd.s32 $0x2B50, s9;
	[sflag:s24] =	ssyncadd.s32 $0xFFFFE400  }
0x92: {  	s11 =	sadd.s32 $0x380, s9  }
0x93: {  	[tilespmem:s19], [sflag:$0x1] =	stream.indirect.gather [spmem:s2], $0x40, s11, s21, $0xb8;
	[tilespmem:$0x1FCC0] =	vst v63  }
0x94: {  	_ =	swait.ge [sflag:s30], $0x1C00  }
0x95: {  	[sflag:s30] =	ssyncset.done $0x0  }
0x96: {  	[sflag:s30] =	ssyncadd.s32 $0xFFFFE400  }
0x97: {  	[spmem:s3] =	stream.indirect.scatter.add.f32 [tilespmem:s31], [sflag:$0x8], $0x40, s10, s21, $0xb8;
	[tilespmem:$0x1FCC0] =	vst v63  }
.Ltmp4:
0x98: {  	_ = 	snop;
	(pc) =	sbr.rel .LBB2_4-.Ltmp4, $4  }
0x99: {  	_ =	swait.ge [sflag:s29], $0x1C00  }
0x9a: {  	[sflag:s29] =	ssyncset.done $0x0  }
0x9b: {  	s8 =	sadd.s32 $0x700, s8;
	s11 =	sadd.s32 $0x3F0, s9;
	[sflag:s29] =	ssyncadd.s32 $0xFFFFE400  }
0x9c: {  	[tilespmem:s22], [sflag:$0x2] =	stream.indirect.gather [spmem:s2], $0x40, s11, s21, $0xb8;
	[tilespmem:$0x1FCC0] =	vst v63  }
.LBB2_7:
0x9d: {  	_ =	sfence.sel $0x180000  }
0x9e: {  	[bflag:$0x0] =	sbarrier.arrive $0xFFFF  }
0x9f: {  	_ =	strace $0x9000004A  }
0xa0: {  	s0 =	stileid.u32;
	[bflag:$0x2] =	sbarrier.arrive $0xFFFF  }
0xa1: {  	p0 =	sne.s32 s0, $0x0;
	s0 =	rddreg [dreg:$0x4]  }
0xa2: {  	s0 =	sadd.s32 @!p0 $0x100000, s0  }
0xa3: {  	[sflag:s0] =	ssyncadd.tile.s32 @!p0 $0x1;
	_ =	shalt  }
.Lfunc_end2:
_tile_overlayer_lowered:
.L_overlay_start_2:
0xa4: {  	(tag) =	ssettag $0x2  }
0xa5: {  	s0 =	rddreg [dreg:$0x0];
	s2 =	stileid.u32  }
0xa6: {  	s1 =	rddreg [dreg:$0x1];
	p0 =	sne.s32 s2, $0x0  }
0xa7: {  	s3 =	rddreg [dreg:$0x2];
	[bflag:$0x3] =	sbarrier.arrive $0xFFFF;
	s2 =	simm.s32 @!p0 $0x1C09  }
0xa8: {  	[timem:s3], [sflag:s2] =	dma.local @!p0 [hbm:s0], s1  }
0xa9: {  	s0 =	simm.s32 @!p0 $0x9  }
0xaa: {  	_ =	swait.ge @!p0 [sflag:s0], s1  }
0xab: {  	s1 =	ssub.s32 @!p0 $0x0, s1;
	[sflag:s0] =	ssyncset.done @!p0 $0x0  }
0xac: {  	[sflag:s0] =	ssyncadd.s32 @!p0 s1  }
0xad: {  	[bflag:$0x3] =	sbarrier.arrive $0xFFFF  }
0xae: {  	_ =	shalt  }

</sc_bundles>
